<compile_context>
chip_gen: v7x
topology: tpu7x:2x2x1
jax: 0.10.2.dev20260603
libtpu: 0.0.44.dev20260713+nightly
codegen_flags: <defaults>
</compile_context>

<pallas_src>
import functools
import math

import jax
import jax.numpy as jnp
from jax import lax
from jax.experimental import pallas as pl
from jax.experimental.pallas import tpu as pltpu
from jax.experimental.pallas import tpu_sc as plsc

_NBUF = 4
_INFLIGHT = 2


def _tab_transpose_body(scale, d, in_ref, out_ref):
    out_ref[:, :d] = in_ref[...].T * scale


def _tc_tab_transpose(tab_t, scale):
    d, v = tab_t.shape
    cw = 4096
    return pl.pallas_call(
        functools.partial(_tab_transpose_body, float(scale), d),
        grid=(pl.cdiv(v, cw),),
        in_specs=[pl.BlockSpec((d, cw), lambda j: (0, j))],
        out_specs=pl.BlockSpec((cw, 128), lambda j: (j, 0)),
        out_shape=jax.ShapeDtypeStruct((v, 128), jnp.float32),
    )(tab_t)


def _gather_body(tok_hbm, tab_hbm, out_hbm, idx_v, rows_v, *sems,
                 n_chunks, chunk, b_per_w, nc, d):
    gsems = sems[:_NBUF]
    wsems = sems[_NBUF:]
    wid = lax.axis_index("s") * nc + lax.axis_index("c")
    base = wid * b_per_w

    def issue_gather(c, s):
        pltpu.sync_copy(tok_hbm.at[pl.ds(base + c * chunk, chunk)],
                        idx_v.at[s])
        pltpu.make_async_copy(tab_hbm.at[idx_v.at[s]], rows_v.at[s],
                              gsems[s]).start()

    for c0 in range(_INFLIGHT):
        issue_gather(c0, c0)

    n_outer = n_chunks // _NBUF

    def outer(o, carry):
        for s in range(_NBUF):
            c = o * _NBUF + s
            pltpu.make_async_copy(tab_hbm.at[idx_v.at[s]], rows_v.at[s],
                                  gsems[s]).wait()
            pltpu.make_async_copy(
                rows_v.at[s],
                out_hbm.at[pl.ds(base + c * chunk, chunk), pl.ds(0, d)],
                wsems[s]).start()

            cn = c + _INFLIGHT
            sn = (s + _INFLIGHT) % _NBUF

            @pl.when(cn < n_chunks)
            def _():
                @pl.when(cn >= _NBUF)
                def _():
                    pltpu.make_async_copy(
                        rows_v.at[sn],
                        out_hbm.at[pl.ds(base, chunk), pl.ds(0, d)],
                        wsems[sn]).wait()
                issue_gather(cn, sn)
        return carry

    lax.fori_loop(0, n_outer, outer, 0)

    for s in range(_NBUF):
        pltpu.make_async_copy(rows_v.at[s],
                              out_hbm.at[pl.ds(base, chunk), pl.ds(0, d)],
                              wsems[s]).wait()


def _sc_gather(flat_tokens, tab_rm):
    (b,) = flat_tokens.shape
    v, d = tab_rm.shape

    info = plsc.get_sparse_core_info()
    nc, ns = info.num_cores, info.num_subcores
    nw = nc * ns
    b_per_w = b // nw
    chunk = 800
    n_chunks = b_per_w // chunk
    assert b % nw == 0 and b_per_w % chunk == 0
    assert n_chunks % _NBUF == 0 and chunk % 8 == 0

    mesh = plsc.VectorSubcoreMesh(core_axis_name="c", subcore_axis_name="s")
    body = functools.partial(
        _gather_body, n_chunks=n_chunks, chunk=chunk, b_per_w=b_per_w,
        nc=nc, d=d)

    k = functools.partial(
        pl.kernel,
        mesh=mesh,
        compiler_params=pltpu.CompilerParams(use_tc_tiling_on_sc=False),
        out_type=jax.ShapeDtypeStruct((b, 128), jnp.float32),
        scratch_types=[
            pltpu.VMEM((_NBUF, chunk), jnp.int32),
            pltpu.VMEM((_NBUF, chunk, d), jnp.float32),
        ] + [pltpu.SemaphoreType.DMA] * (2 * _NBUF),
    )(body)

    return k(flat_tokens, tab_rm)


def kernel(tokens, table):
    b0, hist = tokens.shape
    v, d = table.shape
    b = b0 * hist

    stride = 128 // d
    tab_padded = _tc_tab_transpose(table.T, math.sqrt(d))
    tab_rm = tab_padded.reshape(v * stride, d)
    gathered = _sc_gather(tokens.reshape(b) * stride, tab_rm)
    return gathered.reshape(b0, hist, 128)[:, :, :d]

# --- scband reference (transcript-rebuilt; emitter-appended) ---
"""Pipeline reference for scband-tokenized-embedding-79336635892476 (READ-ONLY COPY).

The authoritative reference and input builder live on the scoring server;
editing this copy changes nothing except your own understanding.
"""

import jax, jax.numpy as jnp
import numpy as np
import math

VOCAB = 1000000
EMBED_DIM = 32
BATCH = 4096
HIST = 200

def setup_inputs(seed: int = 0) -> dict:
    key = jax.random.key(seed)
    k1, k2 = jax.random.split(key)
    tokens = jax.random.randint(k1, (BATCH, HIST), 0, VOCAB, dtype=jnp.int64 if jax.config.jax_enable_x64 else jnp.int32)
    table = jax.random.normal(k2, (VOCAB, EMBED_DIM), dtype=jnp.float32) * 0.02
    return {"tokens": tokens, "table": table}

def reference(tokens, table):
    # nn.Embedding lookup followed by sqrt(embed_dim) scaling
    emb = jnp.take(table, tokens, axis=0)
    return emb * math.sqrt(EMBED_DIM)

if __name__ == "__main__":
    import jax
    _d = setup_inputs()
    print(jax.jit(kernel)(*tuple(_d.values())))

</pallas_src>

<mosaic_0001>
#map = affine_map<(d0, d1) -> (0)>
#map1 = affine_map<(d0, d1) -> (0, 0)>
module attributes {stable_mosaic.version = 14 : i64} {
  func.func @_gather_body(%arg0: i32, %arg1: i32, %arg2: memref<819200xi32, #tpu.memory_space<hbm>>, %arg3: memref<4000000x32xf32, #tpu.memory_space<hbm>>, %arg4: memref<819200x128xf32, #tpu.memory_space<hbm>>, %arg5: memref<4x800xi32, #tpu.memory_space<vmem>>, %arg6: memref<4x800x32xf32, #tpu.memory_space<vmem>>, %arg7: memref<!tpu.dma_semaphore, #tpu.memory_space<semaphore_mem>>, %arg8: memref<!tpu.dma_semaphore, #tpu.memory_space<semaphore_mem>>, %arg9: memref<!tpu.dma_semaphore, #tpu.memory_space<semaphore_mem>>, %arg10: memref<!tpu.dma_semaphore, #tpu.memory_space<semaphore_mem>>, %arg11: memref<!tpu.dma_semaphore, #tpu.memory_space<semaphore_mem>>, %arg12: memref<!tpu.dma_semaphore, #tpu.memory_space<semaphore_mem>>, %arg13: memref<!tpu.dma_semaphore, #tpu.memory_space<semaphore_mem>>, %arg14: memref<!tpu.dma_semaphore, #tpu.memory_space<semaphore_mem>>) attributes {dimension_semantics = [#tpu.dimension_semantics<core_parallel>, #tpu.dimension_semantics<subcore_parallel>], iteration_bounds = array<i64: 2, 16>, scalar_prefetch = 0 : i64, scratch_operands = 10 : i64, tpu.core_type = #tpu.core_type<sc_vector_subcore>, window_params = [{transform_indices = #map}, {transform_indices = #map1}, {transform_indices = #map1}]} {
    %mul3A = arith.constant 2 : i32
    %mul3A_0 = arith.muli %arg1, %mul3A : i32
    %add3A = arith.addi %mul3A_0, %arg0 : i32
    %mul3A_1 = arith.constant 25600 : i32
    %mul3A_2 = arith.muli %add3A, %mul3A_1 : i32
    %add3A_3 = arith.constant 0 : i32
    %add3A_4 = arith.addi %mul3A_2, %add3A_3 : i32
    %run_scoped3A = arith.constant 0 : i32
    "tpu.region"() ({
      %run_scoped3A_87 = tpu.sem_alloc : memref<!tpu.dma_semaphore, #tpu.memory_space<semaphore_mem>>
      %dma_start3A_88 = arith.constant 0 : i32
      %dma_start3A_89 = tpu.memref_slice %arg5[%run_scoped3A, %dma_start3A_88] : memref<4x800xi32, #tpu.memory_space<vmem>> -> memref<1x800xi32, #tpu.memory_space<vmem>>
      %dma_start3A_90 = tpu.memref_squeeze %dma_start3A_89 : memref<1x800xi32, #tpu.memory_space<vmem>> -> memref<800xi32, #tpu.memory_space<vmem>>
      %dma_start3A_91 = tpu.memref_slice %arg2[%add3A_4] : memref<819200xi32, #tpu.memory_space<hbm>> -> memref<800xi32, #tpu.memory_space<hbm>>
      %dma_start3A_92 = arith.constant 0 : i32
      %dma_start3A_93 = tpu.memref_slice %arg5[%run_scoped3A, %dma_start3A_92] : memref<4x800xi32, #tpu.memory_space<vmem>> -> memref<1x800xi32, #tpu.memory_space<vmem>>
      %dma_start3A_94 = tpu.memref_squeeze %dma_start3A_93 : memref<1x800xi32, #tpu.memory_space<vmem>> -> memref<800xi32, #tpu.memory_space<vmem>>
      %dma_start3A_95 = tpu.memref_slice %arg2[%add3A_4] : memref<819200xi32, #tpu.memory_space<hbm>> -> memref<800xi32, #tpu.memory_space<hbm>>
      tpu.enqueue_dma source(%dma_start3A_95 : memref<800xi32, #tpu.memory_space<hbm>>) target(%dma_start3A_94 : memref<800xi32, #tpu.memory_space<vmem>>) target_semaphore(%run_scoped3A_87 : memref<!tpu.dma_semaphore, #tpu.memory_space<semaphore_mem>>)
      %dma_wait3A_96 = arith.constant 0 : i32
      %dma_wait3A_97 = tpu.memref_slice %arg5[%run_scoped3A, %dma_wait3A_96] : memref<4x800xi32, #tpu.memory_space<vmem>> -> memref<1x800xi32, #tpu.memory_space<vmem>>
      %dma_wait3A_98 = tpu.memref_squeeze %dma_wait3A_97 : memref<1x800xi32, #tpu.memory_space<vmem>> -> memref<800xi32, #tpu.memory_space<vmem>>
      %dma_wait3A_99 = tpu.memref_slice %arg2[%add3A_4] : memref<819200xi32, #tpu.memory_space<hbm>> -> memref<800xi32, #tpu.memory_space<hbm>>
      %dma_wait3A_100 = arith.constant 0 : i32
      %dma_wait3A_101 = tpu.memref_slice %arg5[%run_scoped3A, %dma_wait3A_100] : memref<4x800xi32, #tpu.memory_space<vmem>> -> memref<1x800xi32, #tpu.memory_space<vmem>>
      %dma_wait3A_102 = tpu.memref_squeeze %dma_wait3A_101 : memref<1x800xi32, #tpu.memory_space<vmem>> -> memref<800xi32, #tpu.memory_space<vmem>>
      %dma_wait3A_103 = tpu.memref_slice %arg2[%add3A_4] : memref<819200xi32, #tpu.memory_space<hbm>> -> memref<800xi32, #tpu.memory_space<hbm>>
      tpu.wait_dma2 semaphore(%run_scoped3A_87 : memref<!tpu.dma_semaphore, #tpu.memory_space<semaphore_mem>>) src(%dma_wait3A_103 : memref<800xi32, #tpu.memory_space<hbm>>) dst(%dma_wait3A_102 : memref<800xi32, #tpu.memory_space<vmem>>)
      tpu.yield
    }) : () -> ()
    %dma_start3A = arith.constant 0 : i32
    %dma_start3A_5 = arith.constant 0 : i32
    %dma_start3A_6 = arith.constant 0 : i32
    %dma_start3A_7 = arith.constant 0 : i32
    %dma_start3A_8 = tpu.memref_slice %arg6[%dma_start3A_5, %dma_start3A_6, %dma_start3A_7] : memref<4x800x32xf32, #tpu.memory_space<vmem>> -> memref<1x800x32xf32, #tpu.memory_space<vmem>>
    %dma_start3A_9 = tpu.memref_squeeze %dma_start3A_8 : memref<1x800x32xf32, #tpu.memory_space<vmem>> -> memref<800x32xf32, #tpu.memory_space<vmem>>
    %dma_start3A_10 = arith.constant 0 : i32
    %dma_start3A_11 = tpu.memref_slice %arg5[%dma_start3A, %dma_start3A_10] : memref<4x800xi32, #tpu.memory_space<vmem>> -> memref<1x800xi32, #tpu.memory_space<vmem>>
    %dma_start3A_12 = tpu.memref_squeeze %dma_start3A_11 : memref<1x800xi32, #tpu.memory_space<vmem>> -> memref<800xi32, #tpu.memory_space<vmem>>
    %dma_start3A_13 = arith.constant 0 : i32
    %dma_start3A_14 = arith.constant 0 : i32
    %dma_start3A_15 = tpu.memref_slice %arg3[%dma_start3A_13, %dma_start3A_14] : memref<4000000x32xf32, #tpu.memory_space<hbm>> -> memref<4000000x32xf32, #tpu.memory_space<hbm>>
    tpu.enqueue_indirect_dma source(%dma_start3A_15 : memref<4000000x32xf32, #tpu.memory_space<hbm>>) target(%dma_start3A_9 : memref<800x32xf32, #tpu.memory_space<vmem>>) offsets(%dma_start3A_12 : memref<800xi32, #tpu.memory_space<vmem>>) semaphore(%arg7 : memref<!tpu.dma_semaphore, #tpu.memory_space<semaphore_mem>>)
    %add3A_16 = arith.constant 800 : i32
    %add3A_17 = arith.addi %mul3A_2, %add3A_16 : i32
    %run_scoped3A_18 = arith.constant 1 : i32
    "tpu.region"() ({
      %run_scoped3A_87 = tpu.sem_alloc : memref<!tpu.dma_semaphore, #tpu.memory_space<semaphore_mem>>
      %dma_start3A_88 = arith.constant 0 : i32
      %dma_start3A_89 = tpu.memref_slice %arg5[%run_scoped3A_18, %dma_start3A_88] : memref<4x800xi32, #tpu.memory_space<vmem>> -> memref<1x800xi32, #tpu.memory_space<vmem>>
      %dma_start3A_90 = tpu.memref_squeeze %dma_start3A_89 : memref<1x800xi32, #tpu.memory_space<vmem>> -> memref<800xi32, #tpu.memory_space<vmem>>
      %dma_start3A_91 = tpu.memref_slice %arg2[%add3A_17] : memref<819200xi32, #tpu.memory_space<hbm>> -> memref<800xi32, #tpu.memory_space<hbm>>
      %dma_start3A_92 = arith.constant 0 : i32
      %dma_start3A_93 = tpu.memref_slice %arg5[%run_scoped3A_18, %dma_start3A_92] : memref<4x800xi32, #tpu.memory_space<vmem>> -> memref<1x800xi32, #tpu.memory_space<vmem>>
      %dma_start3A_94 = tpu.memref_squeeze %dma_start3A_93 : memref<1x800xi32, #tpu.memory_space<vmem>> -> memref<800xi32, #tpu.memory_space<vmem>>
      %dma_start3A_95 = tpu.memref_slice %arg2[%add3A_17] : memref<819200xi32, #tpu.memory_space<hbm>> -> memref<800xi32, #tpu.memory_space<hbm>>
      tpu.enqueue_dma source(%dma_start3A_95 : memref<800xi32, #tpu.memory_space<hbm>>) target(%dma_start3A_94 : memref<800xi32, #tpu.memory_space<vmem>>) target_semaphore(%run_scoped3A_87 : memref<!tpu.dma_semaphore, #tpu.memory_space<semaphore_mem>>)
      %dma_wait3A_96 = arith.constant 0 : i32
      %dma_wait3A_97 = tpu.memref_slice %arg5[%run_scoped3A_18, %dma_wait3A_96] : memref<4x800xi32, #tpu.memory_space<vmem>> -> memref<1x800xi32, #tpu.memory_space<vmem>>
      %dma_wait3A_98 = tpu.memref_squeeze %dma_wait3A_97 : memref<1x800xi32, #tpu.memory_space<vmem>> -> memref<800xi32, #tpu.memory_space<vmem>>
      %dma_wait3A_99 = tpu.memref_slice %arg2[%add3A_17] : memref<819200xi32, #tpu.memory_space<hbm>> -> memref<800xi32, #tpu.memory_space<hbm>>
      %dma_wait3A_100 = arith.constant 0 : i32
      %dma_wait3A_101 = tpu.memref_slice %arg5[%run_scoped3A_18, %dma_wait3A_100] : memref<4x800xi32, #tpu.memory_space<vmem>> -> memref<1x800xi32, #tpu.memory_space<vmem>>
      %dma_wait3A_102 = tpu.memref_squeeze %dma_wait3A_101 : memref<1x800xi32, #tpu.memory_space<vmem>> -> memref<800xi32, #tpu.memory_space<vmem>>
      %dma_wait3A_103 = tpu.memref_slice %arg2[%add3A_17] : memref<819200xi32, #tpu.memory_space<hbm>> -> memref<800xi32, #tpu.memory_space<hbm>>
      tpu.wait_dma2 semaphore(%run_scoped3A_87 : memref<!tpu.dma_semaphore, #tpu.memory_space<semaphore_mem>>) src(%dma_wait3A_103 : memref<800xi32, #tpu.memory_space<hbm>>) dst(%dma_wait3A_102 : memref<800xi32, #tpu.memory_space<vmem>>)
      tpu.yield
    }) : () -> ()
    %dma_start3A_19 = arith.constant 1 : i32
    %dma_start3A_20 = arith.constant 1 : i32
    %dma_start3A_21 = arith.constant 0 : i32
    %dma_start3A_22 = arith.constant 0 : i32
    %dma_start3A_23 = tpu.memref_slice %arg6[%dma_start3A_20, %dma_start3A_21, %dma_start3A_22] : memref<4x800x32xf32, #tpu.memory_space<vmem>> -> memref<1x800x32xf32, #tpu.memory_space<vmem>>
    %dma_start3A_24 = tpu.memref_squeeze %dma_start3A_23 : memref<1x800x32xf32, #tpu.memory_space<vmem>> -> memref<800x32xf32, #tpu.memory_space<vmem>>
    %dma_start3A_25 = arith.constant 0 : i32
    %dma_start3A_26 = tpu.memref_slice %arg5[%dma_start3A_19, %dma_start3A_25] : memref<4x800xi32, #tpu.memory_space<vmem>> -> memref<1x800xi32, #tpu.memory_space<vmem>>
    %dma_start3A_27 = tpu.memref_squeeze %dma_start3A_26 : memref<1x800xi32, #tpu.memory_space<vmem>> -> memref<800xi32, #tpu.memory_space<vmem>>
    %dma_start3A_28 = arith.constant 0 : i32
    %dma_start3A_29 = arith.constant 0 : i32
    %dma_start3A_30 = tpu.memref_slice %arg3[%dma_start3A_28, %dma_start3A_29] : memref<4000000x32xf32, #tpu.memory_space<hbm>> -> memref<4000000x32xf32, #tpu.memory_space<hbm>>
    tpu.enqueue_indirect_dma source(%dma_start3A_30 : memref<4000000x32xf32, #tpu.memory_space<hbm>>) target(%dma_start3A_24 : memref<800x32xf32, #tpu.memory_space<vmem>>) offsets(%dma_start3A_27 : memref<800xi32, #tpu.memory_space<vmem>>) semaphore(%arg8 : memref<!tpu.dma_semaphore, #tpu.memory_space<semaphore_mem>>)
    %scan3A = arith.constant 0 : i32
    %scan3A_31 = arith.constant 0 : i32
    %scan3A_32 = arith.constant 8 : i32
    %scan3A_33 = arith.addi %scan3A_31, %scan3A_32 : i32
    %scan3A_34 = arith.constant 1 : i32
    scf.for %scan3A_87 = %scan3A_31 to %scan3A_33 step %scan3A_34  : i32 {
      %mul3A_88 = arith.constant 4 : i32
      %mul3A_89 = arith.muli %scan3A_87, %mul3A_88 : i32
      %add3A_90 = arith.constant 0 : i32
      %add3A_91 = arith.addi %mul3A_89, %add3A_90 : i32
      %dma_wait3A_92 = arith.constant 0 : i32
      %dma_wait3A_93 = arith.constant 0 : i32
      %dma_wait3A_94 = arith.constant 0 : i32
      %dma_wait3A_95 = arith.constant 0 : i32
      %dma_wait3A_96 = tpu.memref_slice %arg6[%dma_wait3A_93, %dma_wait3A_94, %dma_wait3A_95] : memref<4x800x32xf32, #tpu.memory_space<vmem>> -> memref<1x800x32xf32, #tpu.memory_space<vmem>>
      %dma_wait3A_97 = tpu.memref_squeeze %dma_wait3A_96 : memref<1x800x32xf32, #tpu.memory_space<vmem>> -> memref<800x32xf32, #tpu.memory_space<vmem>>
      %dma_wait3A_98 = arith.constant 0 : i32
      %dma_wait3A_99 = tpu.memref_slice %arg5[%dma_wait3A_92, %dma_wait3A_98] : memref<4x800xi32, #tpu.memory_space<vmem>> -> memref<1x800xi32, #tpu.memory_space<vmem>>
      %dma_wait3A_100 = tpu.memref_squeeze %dma_wait3A_99 : memref<1x800xi32, #tpu.memory_space<vmem>> -> memref<800xi32, #tpu.memory_space<vmem>>
      %dma_wait3A_101 = arith.constant 0 : i32
      %dma_wait3A_102 = arith.constant 0 : i32
      %dma_wait3A_103 = tpu.memref_slice %arg3[%dma_wait3A_101, %dma_wait3A_102] : memref<4000000x32xf32, #tpu.memory_space<hbm>> -> memref<4000000x32xf32, #tpu.memory_space<hbm>>
      tpu.wait_indirect_dma semaphore(%arg7 : memref<!tpu.dma_semaphore, #tpu.memory_space<semaphore_mem>>) src(%dma_wait3A_103 : memref<4000000x32xf32, #tpu.memory_space<hbm>>) dst(%dma_wait3A_97 : memref<800x32xf32, #tpu.memory_space<vmem>>)
      %mul3A_104 = arith.constant 800 : i32
      %mul3A_105 = arith.muli %add3A_91, %mul3A_104 : i32
      %add3A_106 = arith.addi %mul3A_2, %mul3A_105 : i32
      %dma_start3A_107 = arith.constant 0 : i32
      %dma_start3A_108 = arith.constant 0 : i32
      %dma_start3A_109 = arith.constant 0 : i32
      %dma_start3A_110 = tpu.memref_slice %arg6[%dma_start3A_107, %dma_start3A_108, %dma_start3A_109] : memref<4x800x32xf32, #tpu.memory_space<vmem>> -> memref<1x800x32xf32, #tpu.memory_space<vmem>>
      %dma_start3A_111 = tpu.memref_squeeze %dma_start3A_110 : memref<1x800x32xf32, #tpu.memory_space<vmem>> -> memref<800x32xf32, #tpu.memory_space<vmem>>
      %dma_start3A_112 = arith.constant 0 : i32
      %dma_start3A_113 = tpu.memref_slice %arg4[%add3A_106, %dma_start3A_112] : memref<819200x128xf32, #tpu.memory_space<hbm>> -> memref<800x32xf32, #tpu.memory_space<hbm>>
      %dma_start3A_114 = arith.constant 0 : i32
      %dma_start3A_115 = tpu.memref_slice %arg4[%add3A_106, %dma_start3A_114] : memref<819200x128xf32, #tpu.memory_space<hbm>> -> memref<800x32xf32, #tpu.memory_space<hbm>>
      %dma_start3A_116 = arith.constant 0 : i32
      %dma_start3A_117 = arith.constant 0 : i32
      %dma_start3A_118 = tpu.memref_slice %arg6[%dma_start3A_107, %dma_start3A_116, %dma_start3A_117] : memref<4x800x32xf32, #tpu.memory_space<vmem>> -> memref<1x800x32xf32, #tpu.memory_space<vmem>>
      %dma_start3A_119 = tpu.memref_squeeze %dma_start3A_118 : memref<1x800x32xf32, #tpu.memory_space<vmem>> -> memref<800x32xf32, #tpu.memory_space<vmem>>
      tpu.enqueue_dma source(%dma_start3A_119 : memref<800x32xf32, #tpu.memory_space<vmem>>) target(%dma_start3A_115 : memref<800x32xf32, #tpu.memory_space<hbm>>) target_semaphore(%arg11 : memref<!tpu.dma_semaphore, #tpu.memory_space<semaphore_mem>>)
      %add3A_120 = arith.constant 2 : i32
      %add3A_121 = arith.addi %add3A_91, %add3A_120 : i32
      %lt3A = arith.constant 32 : i32
      %lt3A_122 = arith.cmpi slt, %add3A_121, %lt3A : i32
      %convert_element_type3A = arith.extui %lt3A_122 : i1 to i32
      %cond3A = arith.constant 0 : i32
      %cond3A_123 = arith.cmpi ne, %convert_element_type3A, %cond3A : i32
      scf.if %cond3A_123 {
        %ge3A = arith.constant 4 : i32
        %ge3A_241 = arith.cmpi sge, %add3A_121, %ge3A : i32
        %convert_element_type3A_242 = arith.extui %ge3A_241 : i1 to i32
        %cond3A_243 = arith.constant 0 : i32
        %cond3A_244 = arith.cmpi ne, %convert_element_type3A_242, %cond3A_243 : i32
        scf.if %cond3A_244 {
          %dma_wait3A_261 = arith.constant 2 : i32
          %dma_wait3A_262 = arith.constant 0 : i32
          %dma_wait3A_263 = arith.constant 0 : i32
          %dma_wait3A_264 = tpu.memref_slice %arg6[%dma_wait3A_261, %dma_wait3A_262, %dma_wait3A_263] : memref<4x800x32xf32, #tpu.memory_space<vmem>> -> memref<1x800x32xf32, #tpu.memory_space<vmem>>
          %dma_wait3A_265 = tpu.memref_squeeze %dma_wait3A_264 : memref<1x800x32xf32, #tpu.memory_space<vmem>> -> memref<800x32xf32, #tpu.memory_space<vmem>>
          %dma_wait3A_266 = arith.constant 0 : i32
          %dma_wait3A_267 = tpu.memref_slice %arg4[%mul3A_2, %dma_wait3A_266] : memref<819200x128xf32, #tpu.memory_space<hbm>> -> memref<800x32xf32, #tpu.memory_space<hbm>>
          %dma_wait3A_268 = arith.constant 0 : i32
          %dma_wait3A_269 = tpu.memref_slice %arg4[%mul3A_2, %dma_wait3A_268] : memref<819200x128xf32, #tpu.memory_space<hbm>> -> memref<800x32xf32, #tpu.memory_space<hbm>>
          %dma_wait3A_270 = arith.constant 0 : i32
          %dma_wait3A_271 = arith.constant 0 : i32
          %dma_wait3A_272 = tpu.memref_slice %arg6[%dma_wait3A_261, %dma_wait3A_270, %dma_wait3A_271] : memref<4x800x32xf32, #tpu.memory_space<vmem>> -> memref<1x800x32xf32, #tpu.memory_space<vmem>>
          %dma_wait3A_273 = tpu.memref_squeeze %dma_wait3A_272 : memref<1x800x32xf32, #tpu.memory_space<vmem>> -> memref<800x32xf32, #tpu.memory_space<vmem>>
          tpu.wait_dma2 semaphore(%arg13 : memref<!tpu.dma_semaphore, #tpu.memory_space<semaphore_mem>>) src(%dma_wait3A_273 : memref<800x32xf32, #tpu.memory_space<vmem>>) dst(%dma_wait3A_269 : memref<800x32xf32, #tpu.memory_space<hbm>>)
        } else {
        }
        %mul3A_245 = arith.constant 800 : i32
        %mul3A_246 = arith.muli %add3A_121, %mul3A_245 : i32
        %add3A_247 = arith.addi %mul3A_2, %mul3A_246 : i32
        %run_scoped3A_248 = arith.constant 2 : i32
        "tpu.region"() ({
          %run_scoped3A_261 = tpu.sem_alloc : memref<!tpu.dma_semaphore, #tpu.memory_space<semaphore_mem>>
          %dma_start3A_262 = arith.constant 0 : i32
          %dma_start3A_263 = tpu.memref_slice %arg5[%run_scoped3A_248, %dma_start3A_262] : memref<4x800xi32, #tpu.memory_space<vmem>> -> memref<1x800xi32, #tpu.memory_space<vmem>>
          %dma_start3A_264 = tpu.memref_squeeze %dma_start3A_263 : memref<1x800xi32, #tpu.memory_space<vmem>> -> memref<800xi32, #tpu.memory_space<vmem>>
          %dma_start3A_265 = tpu.memref_slice %arg2[%add3A_247] : memref<819200xi32, #tpu.memory_space<hbm>> -> memref<800xi32, #tpu.memory_space<hbm>>
          %dma_start3A_266 = arith.constant 0 : i32
          %dma_start3A_267 = tpu.memref_slice %arg5[%run_scoped3A_248, %dma_start3A_266] : memref<4x800xi32, #tpu.memory_space<vmem>> -> memref<1x800xi32, #tpu.memory_space<vmem>>
          %dma_start3A_268 = tpu.memref_squeeze %dma_start3A_267 : memref<1x800xi32, #tpu.memory_space<vmem>> -> memref<800xi32, #tpu.memory_space<vmem>>
          %dma_start3A_269 = tpu.memref_slice %arg2[%add3A_247] : memref<819200xi32, #tpu.memory_space<hbm>> -> memref<800xi32, #tpu.memory_space<hbm>>
          tpu.enqueue_dma source(%dma_start3A_269 : memref<800xi32, #tpu.memory_space<hbm>>) target(%dma_start3A_268 : memref<800xi32, #tpu.memory_space<vmem>>) target_semaphore(%run_scoped3A_261 : memref<!tpu.dma_semaphore, #tpu.memory_space<semaphore_mem>>)
          %dma_wait3A_270 = arith.constant 0 : i32
          %dma_wait3A_271 = tpu.memref_slice %arg5[%run_scoped3A_248, %dma_wait3A_270] : memref<4x800xi32, #tpu.memory_space<vmem>> -> memref<1x800xi32, #tpu.memory_space<vmem>>
          %dma_wait3A_272 = tpu.memref_squeeze %dma_wait3A_271 : memref<1x800xi32, #tpu.memory_space<vmem>> -> memref<800xi32, #tpu.memory_space<vmem>>
          %dma_wait3A_273 = tpu.memref_slice %arg2[%add3A_247] : memref<819200xi32, #tpu.memory_space<hbm>> -> memref<800xi32, #tpu.memory_space<hbm>>
          %dma_wait3A_274 = arith.constant 0 : i32
          %dma_wait3A_275 = tpu.memref_slice %arg5[%run_scoped3A_248, %dma_wait3A_274] : memref<4x800xi32, #tpu.memory_space<vmem>> -> memref<1x800xi32, #tpu.memory_space<vmem>>
          %dma_wait3A_276 = tpu.memref_squeeze %dma_wait3A_275 : memref<1x800xi32, #tpu.memory_space<vmem>> -> memref<800xi32, #tpu.memory_space<vmem>>
          %dma_wait3A_277 = tpu.memref_slice %arg2[%add3A_247] : memref<819200xi32, #tpu.memory_space<hbm>> -> memref<800xi32, #tpu.memory_space<hbm>>
          tpu.wait_dma2 semaphore(%run_scoped3A_261 : memref<!tpu.dma_semaphore, #tpu.memory_space<semaphore_mem>>) src(%dma_wait3A_277 : memref<800xi32, #tpu.memory_space<hbm>>) dst(%dma_wait3A_276 : memref<800xi32, #tpu.memory_space<vmem>>)
          tpu.yield
        }) : () -> ()
        %dma_start3A_249 = arith.constant 2 : i32
        %dma_start3A_250 = arith.constant 2 : i32
        %dma_start3A_251 = arith.constant 0 : i32
        %dma_start3A_252 = arith.constant 0 : i32
        %dma_start3A_253 = tpu.memref_slice %arg6[%dma_start3A_250, %dma_start3A_251, %dma_start3A_252] : memref<4x800x32xf32, #tpu.memory_space<vmem>> -> memref<1x800x32xf32, #tpu.memory_space<vmem>>
        %dma_start3A_254 = tpu.memref_squeeze %dma_start3A_253 : memref<1x800x32xf32, #tpu.memory_space<vmem>> -> memref<800x32xf32, #tpu.memory_space<vmem>>
        %dma_start3A_255 = arith.constant 0 : i32
        %dma_start3A_256 = tpu.memref_slice %arg5[%dma_start3A_249, %dma_start3A_255] : memref<4x800xi32, #tpu.memory_space<vmem>> -> memref<1x800xi32, #tpu.memory_space<vmem>>
        %dma_start3A_257 = tpu.memref_squeeze %dma_start3A_256 : memref<1x800xi32, #tpu.memory_space<vmem>> -> memref<800xi32, #tpu.memory_space<vmem>>
        %dma_start3A_258 = arith.constant 0 : i32
        %dma_start3A_259 = arith.constant 0 : i32
        %dma_start3A_260 = tpu.memref_slice %arg3[%dma_start3A_258, %dma_start3A_259] : memref<4000000x32xf32, #tpu.memory_space<hbm>> -> memref<4000000x32xf32, #tpu.memory_space<hbm>>
        tpu.enqueue_indirect_dma source(%dma_start3A_260 : memref<4000000x32xf32, #tpu.memory_space<hbm>>) target(%dma_start3A_254 : memref<800x32xf32, #tpu.memory_space<vmem>>) offsets(%dma_start3A_257 : memref<800xi32, #tpu.memory_space<vmem>>) semaphore(%arg9 : memref<!tpu.dma_semaphore, #tpu.memory_space<semaphore_mem>>)
      } else {
      }
      %mul3A_124 = arith.constant 4 : i32
      %mul3A_125 = arith.muli %scan3A_87, %mul3A_124 : i32
      %add3A_126 = arith.constant 1 : i32
      %add3A_127 = arith.addi %mul3A_125, %add3A_126 : i32
      %dma_wait3A_128 = arith.constant 1 : i32
      %dma_wait3A_129 = arith.constant 1 : i32
      %dma_wait3A_130 = arith.constant 0 : i32
      %dma_wait3A_131 = arith.constant 0 : i32
      %dma_wait3A_132 = tpu.memref_slice %arg6[%dma_wait3A_129, %dma_wait3A_130, %dma_wait3A_131] : memref<4x800x32xf32, #tpu.memory_space<vmem>> -> memref<1x800x32xf32, #tpu.memory_space<vmem>>
      %dma_wait3A_133 = tpu.memref_squeeze %dma_wait3A_132 : memref<1x800x32xf32, #tpu.memory_space<vmem>> -> memref<800x32xf32, #tpu.memory_space<vmem>>
      %dma_wait3A_134 = arith.constant 0 : i32
      %dma_wait3A_135 = tpu.memref_slice %arg5[%dma_wait3A_128, %dma_wait3A_134] : memref<4x800xi32, #tpu.memory_space<vmem>> -> memref<1x800xi32, #tpu.memory_space<vmem>>
      %dma_wait3A_136 = tpu.memref_squeeze %dma_wait3A_135 : memref<1x800xi32, #tpu.memory_space<vmem>> -> memref<800xi32, #tpu.memory_space<vmem>>
      %dma_wait3A_137 = arith.constant 0 : i32
      %dma_wait3A_138 = arith.constant 0 : i32
      %dma_wait3A_139 = tpu.memref_slice %arg3[%dma_wait3A_137, %dma_wait3A_138] : memref<4000000x32xf32, #tpu.memory_space<hbm>> -> memref<4000000x32xf32, #tpu.memory_space<hbm>>
      tpu.wait_indirect_dma semaphore(%arg8 : memref<!tpu.dma_semaphore, #tpu.memory_space<semaphore_mem>>) src(%dma_wait3A_139 : memref<4000000x32xf32, #tpu.memory_space<hbm>>) dst(%dma_wait3A_133 : memref<800x32xf32, #tpu.memory_space<vmem>>)
      %mul3A_140 = arith.constant 800 : i32
      %mul3A_141 = arith.muli %add3A_127, %mul3A_140 : i32
      %add3A_142 = arith.addi %mul3A_2, %mul3A_141 : i32
      %dma_start3A_143 = arith.constant 1 : i32
      %dma_start3A_144 = arith.constant 0 : i32
      %dma_start3A_145 = arith.constant 0 : i32
      %dma_start3A_146 = tpu.memref_slice %arg6[%dma_start3A_143, %dma_start3A_144, %dma_start3A_145] : memref<4x800x32xf32, #tpu.memory_space<vmem>> -> memref<1x800x32xf32, #tpu.memory_space<vmem>>
      %dma_start3A_147 = tpu.memref_squeeze %dma_start3A_146 : memref<1x800x32xf32, #tpu.memory_space<vmem>> -> memref<800x32xf32, #tpu.memory_space<vmem>>
      %dma_start3A_148 = arith.constant 0 : i32
      %dma_start3A_149 = tpu.memref_slice %arg4[%add3A_142, %dma_start3A_148] : memref<819200x128xf32, #tpu.memory_space<hbm>> -> memref<800x32xf32, #tpu.memory_space<hbm>>
      %dma_start3A_150 = arith.constant 0 : i32
      %dma_start3A_151 = tpu.memref_slice %arg4[%add3A_142, %dma_start3A_150] : memref<819200x128xf32, #tpu.memory_space<hbm>> -> memref<800x32xf32, #tpu.memory_space<hbm>>
      %dma_start3A_152 = arith.constant 0 : i32
      %dma_start3A_153 = arith.constant 0 : i32
      %dma_start3A_154 = tpu.memref_slice %arg6[%dma_start3A_143, %dma_start3A_152, %dma_start3A_153] : memref<4x800x32xf32, #tpu.memory_space<vmem>> -> memref<1x800x32xf32, #tpu.memory_space<vmem>>
      %dma_start3A_155 = tpu.memref_squeeze %dma_start3A_154 : memref<1x800x32xf32, #tpu.memory_space<vmem>> -> memref<800x32xf32, #tpu.memory_space<vmem>>
      tpu.enqueue_dma source(%dma_start3A_155 : memref<800x32xf32, #tpu.memory_space<vmem>>) target(%dma_start3A_151 : memref<800x32xf32, #tpu.memory_space<hbm>>) target_semaphore(%arg12 : memref<!tpu.dma_semaphore, #tpu.memory_space<semaphore_mem>>)
      %add3A_156 = arith.constant 2 : i32
      %add3A_157 = arith.addi %add3A_127, %add3A_156 : i32
      %lt3A_158 = arith.constant 32 : i32
      %lt3A_159 = arith.cmpi slt, %add3A_157, %lt3A_158 : i32
      %convert_element_type3A_160 = arith.extui %lt3A_159 : i1 to i32
      %cond3A_161 = arith.constant 0 : i32
      %cond3A_162 = arith.cmpi ne, %convert_element_type3A_160, %cond3A_161 : i32
      scf.if %cond3A_162 {
        %ge3A = arith.constant 4 : i32
        %ge3A_241 = arith.cmpi sge, %add3A_157, %ge3A : i32
        %convert_element_type3A_242 = arith.extui %ge3A_241 : i1 to i32
        %cond3A_243 = arith.constant 0 : i32
        %cond3A_244 = arith.cmpi ne, %convert_element_type3A_242, %cond3A_243 : i32
        scf.if %cond3A_244 {
          %dma_wait3A_261 = arith.constant 3 : i32
          %dma_wait3A_262 = arith.constant 0 : i32
          %dma_wait3A_263 = arith.constant 0 : i32
          %dma_wait3A_264 = tpu.memref_slice %arg6[%dma_wait3A_261, %dma_wait3A_262, %dma_wait3A_263] : memref<4x800x32xf32, #tpu.memory_space<vmem>> -> memref<1x800x32xf32, #tpu.memory_space<vmem>>
          %dma_wait3A_265 = tpu.memref_squeeze %dma_wait3A_264 : memref<1x800x32xf32, #tpu.memory_space<vmem>> -> memref<800x32xf32, #tpu.memory_space<vmem>>
          %dma_wait3A_266 = arith.constant 0 : i32
          %dma_wait3A_267 = tpu.memref_slice %arg4[%mul3A_2, %dma_wait3A_266] : memref<819200x128xf32, #tpu.memory_space<hbm>> -> memref<800x32xf32, #tpu.memory_space<hbm>>
          %dma_wait3A_268 = arith.constant 0 : i32
          %dma_wait3A_269 = tpu.memref_slice %arg4[%mul3A_2, %dma_wait3A_268] : memref<819200x128xf32, #tpu.memory_space<hbm>> -> memref<800x32xf32, #tpu.memory_space<hbm>>
          %dma_wait3A_270 = arith.constant 0 : i32
          %dma_wait3A_271 = arith.constant 0 : i32
          %dma_wait3A_272 = tpu.memref_slice %arg6[%dma_wait3A_261, %dma_wait3A_270, %dma_wait3A_271] : memref<4x800x32xf32, #tpu.memory_space<vmem>> -> memref<1x800x32xf32, #tpu.memory_space<vmem>>
          %dma_wait3A_273 = tpu.memref_squeeze %dma_wait3A_272 : memref<1x800x32xf32, #tpu.memory_space<vmem>> -> memref<800x32xf32, #tpu.memory_space<vmem>>
          tpu.wait_dma2 semaphore(%arg14 : memref<!tpu.dma_semaphore, #tpu.memory_space<semaphore_mem>>) src(%dma_wait3A_273 : memref<800x32xf32, #tpu.memory_space<vmem>>) dst(%dma_wait3A_269 : memref<800x32xf32, #tpu.memory_space<hbm>>)
        } else {
        }
        %mul3A_245 = arith.constant 800 : i32
        %mul3A_246 = arith.muli %add3A_157, %mul3A_245 : i32
        %add3A_247 = arith.addi %mul3A_2, %mul3A_246 : i32
        %run_scoped3A_248 = arith.constant 3 : i32
        "tpu.region"() ({
          %run_scoped3A_261 = tpu.sem_alloc : memref<!tpu.dma_semaphore, #tpu.memory_space<semaphore_mem>>
          %dma_start3A_262 = arith.constant 0 : i32
          %dma_start3A_263 = tpu.memref_slice %arg5[%run_scoped3A_248, %dma_start3A_262] : memref<4x800xi32, #tpu.memory_space<vmem>> -> memref<1x800xi32, #tpu.memory_space<vmem>>
          %dma_start3A_264 = tpu.memref_squeeze %dma_start3A_263 : memref<1x800xi32, #tpu.memory_space<vmem>> -> memref<800xi32, #tpu.memory_space<vmem>>
          %dma_start3A_265 = tpu.memref_slice %arg2[%add3A_247] : memref<819200xi32, #tpu.memory_space<hbm>> -> memref<800xi32, #tpu.memory_space<hbm>>
          %dma_start3A_266 = arith.constant 0 : i32
          %dma_start3A_267 = tpu.memref_slice %arg5[%run_scoped3A_248, %dma_start3A_266] : memref<4x800xi32, #tpu.memory_space<vmem>> -> memref<1x800xi32, #tpu.memory_space<vmem>>
          %dma_start3A_268 = tpu.memref_squeeze %dma_start3A_267 : memref<1x800xi32, #tpu.memory_space<vmem>> -> memref<800xi32, #tpu.memory_space<vmem>>
          %dma_start3A_269 = tpu.memref_slice %arg2[%add3A_247] : memref<819200xi32, #tpu.memory_space<hbm>> -> memref<800xi32, #tpu.memory_space<hbm>>
          tpu.enqueue_dma source(%dma_start3A_269 : memref<800xi32, #tpu.memory_space<hbm>>) target(%dma_start3A_268 : memref<800xi32, #tpu.memory_space<vmem>>) target_semaphore(%run_scoped3A_261 : memref<!tpu.dma_semaphore, #tpu.memory_space<semaphore_mem>>)
          %dma_wait3A_270 = arith.constant 0 : i32
          %dma_wait3A_271 = tpu.memref_slice %arg5[%run_scoped3A_248, %dma_wait3A_270] : memref<4x800xi32, #tpu.memory_space<vmem>> -> memref<1x800xi32, #tpu.memory_space<vmem>>
          %dma_wait3A_272 = tpu.memref_squeeze %dma_wait3A_271 : memref<1x800xi32, #tpu.memory_space<vmem>> -> memref<800xi32, #tpu.memory_space<vmem>>
          %dma_wait3A_273 = tpu.memref_slice %arg2[%add3A_247] : memref<819200xi32, #tpu.memory_space<hbm>> -> memref<800xi32, #tpu.memory_space<hbm>>
          %dma_wait3A_274 = arith.constant 0 : i32
          %dma_wait3A_275 = tpu.memref_slice %arg5[%run_scoped3A_248, %dma_wait3A_274] : memref<4x800xi32, #tpu.memory_space<vmem>> -> memref<1x800xi32, #tpu.memory_space<vmem>>
          %dma_wait3A_276 = tpu.memref_squeeze %dma_wait3A_275 : memref<1x800xi32, #tpu.memory_space<vmem>> -> memref<800xi32, #tpu.memory_space<vmem>>
          %dma_wait3A_277 = tpu.memref_slice %arg2[%add3A_247] : memref<819200xi32, #tpu.memory_space<hbm>> -> memref<800xi32, #tpu.memory_space<hbm>>
          tpu.wait_dma2 semaphore(%run_scoped3A_261 : memref<!tpu.dma_semaphore, #tpu.memory_space<semaphore_mem>>) src(%dma_wait3A_277 : memref<800xi32, #tpu.memory_space<hbm>>) dst(%dma_wait3A_276 : memref<800xi32, #tpu.memory_space<vmem>>)
          tpu.yield
        }) : () -> ()
        %dma_start3A_249 = arith.constant 3 : i32
        %dma_start3A_250 = arith.constant 3 : i32
        %dma_start3A_251 = arith.constant 0 : i32
        %dma_start3A_252 = arith.constant 0 : i32
        %dma_start3A_253 = tpu.memref_slice %arg6[%dma_start3A_250, %dma_start3A_251, %dma_start3A_252] : memref<4x800x32xf32, #tpu.memory_space<vmem>> -> memref<1x800x32xf32, #tpu.memory_space<vmem>>
        %dma_start3A_254 = tpu.memref_squeeze %dma_start3A_253 : memref<1x800x32xf32, #tpu.memory_space<vmem>> -> memref<800x32xf32, #tpu.memory_space<vmem>>
        %dma_start3A_255 = arith.constant 0 : i32
        %dma_start3A_256 = tpu.memref_slice %arg5[%dma_start3A_249, %dma_start3A_255] : memref<4x800xi32, #tpu.memory_space<vmem>> -> memref<1x800xi32, #tpu.memory_space<vmem>>
        %dma_start3A_257 = tpu.memref_squeeze %dma_start3A_256 : memref<1x800xi32, #tpu.memory_space<vmem>> -> memref<800xi32, #tpu.memory_space<vmem>>
        %dma_start3A_258 = arith.constant 0 : i32
        %dma_start3A_259 = arith.constant 0 : i32
        %dma_start3A_260 = tpu.memref_slice %arg3[%dma_start3A_258, %dma_start3A_259] : memref<4000000x32xf32, #tpu.memory_space<hbm>> -> memref<4000000x32xf32, #tpu.memory_space<hbm>>
        tpu.enqueue_indirect_dma source(%dma_start3A_260 : memref<4000000x32xf32, #tpu.memory_space<hbm>>) target(%dma_start3A_254 : memref<800x32xf32, #tpu.memory_space<vmem>>) offsets(%dma_start3A_257 : memref<800xi32, #tpu.memory_space<vmem>>) semaphore(%arg10 : memref<!tpu.dma_semaphore, #tpu.memory_space<semaphore_mem>>)
      } else {
      }
      %mul3A_163 = arith.constant 4 : i32
      %mul3A_164 = arith.muli %scan3A_87, %mul3A_163 : i32
      %add3A_165 = arith.constant 2 : i32
      %add3A_166 = arith.addi %mul3A_164, %add3A_165 : i32
      %dma_wait3A_167 = arith.constant 2 : i32
      %dma_wait3A_168 = arith.constant 2 : i32
      %dma_wait3A_169 = arith.constant 0 : i32
      %dma_wait3A_170 = arith.constant 0 : i32
      %dma_wait3A_171 = tpu.memref_slice %arg6[%dma_wait3A_168, %dma_wait3A_169, %dma_wait3A_170] : memref<4x800x32xf32, #tpu.memory_space<vmem>> -> memref<1x800x32xf32, #tpu.memory_space<vmem>>
      %dma_wait3A_172 = tpu.memref_squeeze %dma_wait3A_171 : memref<1x800x32xf32, #tpu.memory_space<vmem>> -> memref<800x32xf32, #tpu.memory_space<vmem>>
      %dma_wait3A_173 = arith.constant 0 : i32
      %dma_wait3A_174 = tpu.memref_slice %arg5[%dma_wait3A_167, %dma_wait3A_173] : memref<4x800xi32, #tpu.memory_space<vmem>> -> memref<1x800xi32, #tpu.memory_space<vmem>>
      %dma_wait3A_175 = tpu.memref_squeeze %dma_wait3A_174 : memref<1x800xi32, #tpu.memory_space<vmem>> -> memref<800xi32, #tpu.memory_space<vmem>>
      %dma_wait3A_176 = arith.constant 0 : i32
      %dma_wait3A_177 = arith.constant 0 : i32
      %dma_wait3A_178 = tpu.memref_slice %arg3[%dma_wait3A_176, %dma_wait3A_177] : memref<4000000x32xf32, #tpu.memory_space<hbm>> -> memref<4000000x32xf32, #tpu.memory_space<hbm>>
      tpu.wait_indirect_dma semaphore(%arg9 : memref<!tpu.dma_semaphore, #tpu.memory_space<semaphore_mem>>) src(%dma_wait3A_178 : memref<4000000x32xf32, #tpu.memory_space<hbm>>) dst(%dma_wait3A_172 : memref<800x32xf32, #tpu.memory_space<vmem>>)
      %mul3A_179 = arith.constant 800 : i32
      %mul3A_180 = arith.muli %add3A_166, %mul3A_179 : i32
      %add3A_181 = arith.addi %mul3A_2, %mul3A_180 : i32
      %dma_start3A_182 = arith.constant 2 : i32
      %dma_start3A_183 = arith.constant 0 : i32
      %dma_start3A_184 = arith.constant 0 : i32
      %dma_start3A_185 = tpu.memref_slice %arg6[%dma_start3A_182, %dma_start3A_183, %dma_start3A_184] : memref<4x800x32xf32, #tpu.memory_space<vmem>> -> memref<1x800x32xf32, #tpu.memory_space<vmem>>
      %dma_start3A_186 = tpu.memref_squeeze %dma_start3A_185 : memref<1x800x32xf32, #tpu.memory_space<vmem>> -> memref<800x32xf32, #tpu.memory_space<vmem>>
      %dma_start3A_187 = arith.constant 0 : i32
      %dma_start3A_188 = tpu.memref_slice %arg4[%add3A_181, %dma_start3A_187] : memref<819200x128xf32, #tpu.memory_space<hbm>> -> memref<800x32xf32, #tpu.memory_space<hbm>>
      %dma_start3A_189 = arith.constant 0 : i32
      %dma_start3A_190 = tpu.memref_slice %arg4[%add3A_181, %dma_start3A_189] : memref<819200x128xf32, #tpu.memory_space<hbm>> -> memref<800x32xf32, #tpu.memory_space<hbm>>
      %dma_start3A_191 = arith.constant 0 : i32
      %dma_start3A_192 = arith.constant 0 : i32
      %dma_start3A_193 = tpu.memref_slice %arg6[%dma_start3A_182, %dma_start3A_191, %dma_start3A_192] : memref<4x800x32xf32, #tpu.memory_space<vmem>> -> memref<1x800x32xf32, #tpu.memory_space<vmem>>
      %dma_start3A_194 = tpu.memref_squeeze %dma_start3A_193 : memref<1x800x32xf32, #tpu.memory_space<vmem>> -> memref<800x32xf32, #tpu.memory_space<vmem>>
      tpu.enqueue_dma source(%dma_start3A_194 : memref<800x32xf32, #tpu.memory_space<vmem>>) target(%dma_start3A_190 : memref<800x32xf32, #tpu.memory_space<hbm>>) target_semaphore(%arg13 : memref<!tpu.dma_semaphore, #tpu.memory_space<semaphore_mem>>)
      %add3A_195 = arith.constant 2 : i32
      %add3A_196 = arith.addi %add3A_166, %add3A_195 : i32
      %lt3A_197 = arith.constant 32 : i32
      %lt3A_198 = arith.cmpi slt, %add3A_196, %lt3A_197 : i32
      %convert_element_type3A_199 = arith.extui %lt3A_198 : i1 to i32
      %cond3A_200 = arith.constant 0 : i32
      %cond3A_201 = arith.cmpi ne, %convert_element_type3A_199, %cond3A_200 : i32
      scf.if %cond3A_201 {
        %ge3A = arith.constant 4 : i32
        %ge3A_241 = arith.cmpi sge, %add3A_196, %ge3A : i32
        %convert_element_type3A_242 = arith.extui %ge3A_241 : i1 to i32
        %cond3A_243 = arith.constant 0 : i32
        %cond3A_244 = arith.cmpi ne, %convert_element_type3A_242, %cond3A_243 : i32
        scf.if %cond3A_244 {
          %dma_wait3A_261 = arith.constant 0 : i32
          %dma_wait3A_262 = arith.constant 0 : i32
          %dma_wait3A_263 = arith.constant 0 : i32
          %dma_wait3A_264 = tpu.memref_slice %arg6[%dma_wait3A_261, %dma_wait3A_262, %dma_wait3A_263] : memref<4x800x32xf32, #tpu.memory_space<vmem>> -> memref<1x800x32xf32, #tpu.memory_space<vmem>>
          %dma_wait3A_265 = tpu.memref_squeeze %dma_wait3A_264 : memref<1x800x32xf32, #tpu.memory_space<vmem>> -> memref<800x32xf32, #tpu.memory_space<vmem>>
          %dma_wait3A_266 = arith.constant 0 : i32
          %dma_wait3A_267 = tpu.memref_slice %arg4[%mul3A_2, %dma_wait3A_266] : memref<819200x128xf32, #tpu.memory_space<hbm>> -> memref<800x32xf32, #tpu.memory_space<hbm>>
          %dma_wait3A_268 = arith.constant 0 : i32
          %dma_wait3A_269 = tpu.memref_slice %arg4[%mul3A_2, %dma_wait3A_268] : memref<819200x128xf32, #tpu.memory_space<hbm>> -> memref<800x32xf32, #tpu.memory_space<hbm>>
          %dma_wait3A_270 = arith.constant 0 : i32
          %dma_wait3A_271 = arith.constant 0 : i32
          %dma_wait3A_272 = tpu.memref_slice %arg6[%dma_wait3A_261, %dma_wait3A_270, %dma_wait3A_271] : memref<4x800x32xf32, #tpu.memory_space<vmem>> -> memref<1x800x32xf32, #tpu.memory_space<vmem>>
          %dma_wait3A_273 = tpu.memref_squeeze %dma_wait3A_272 : memref<1x800x32xf32, #tpu.memory_space<vmem>> -> memref<800x32xf32, #tpu.memory_space<vmem>>
          tpu.wait_dma2 semaphore(%arg11 : memref<!tpu.dma_semaphore, #tpu.memory_space<semaphore_mem>>) src(%dma_wait3A_273 : memref<800x32xf32, #tpu.memory_space<vmem>>) dst(%dma_wait3A_269 : memref<800x32xf32, #tpu.memory_space<hbm>>)
        } else {
        }
        %mul3A_245 = arith.constant 800 : i32
        %mul3A_246 = arith.muli %add3A_196, %mul3A_245 : i32
        %add3A_247 = arith.addi %mul3A_2, %mul3A_246 : i32
        %run_scoped3A_248 = arith.constant 0 : i32
        "tpu.region"() ({
          %run_scoped3A_261 = tpu.sem_alloc : memref<!tpu.dma_semaphore, #tpu.memory_space<semaphore_mem>>
          %dma_start3A_262 = arith.constant 0 : i32
          %dma_start3A_263 = tpu.memref_slice %arg5[%run_scoped3A_248, %dma_start3A_262] : memref<4x800xi32, #tpu.memory_space<vmem>> -> memref<1x800xi32, #tpu.memory_space<vmem>>
          %dma_start3A_264 = tpu.memref_squeeze %dma_start3A_263 : memref<1x800xi32, #tpu.memory_space<vmem>> -> memref<800xi32, #tpu.memory_space<vmem>>
          %dma_start3A_265 = tpu.memref_slice %arg2[%add3A_247] : memref<819200xi32, #tpu.memory_space<hbm>> -> memref<800xi32, #tpu.memory_space<hbm>>
          %dma_start3A_266 = arith.constant 0 : i32
          %dma_start3A_267 = tpu.memref_slice %arg5[%run_scoped3A_248, %dma_start3A_266] : memref<4x800xi32, #tpu.memory_space<vmem>> -> memref<1x800xi32, #tpu.memory_space<vmem>>
          %dma_start3A_268 = tpu.memref_squeeze %dma_start3A_267 : memref<1x800xi32, #tpu.memory_space<vmem>> -> memref<800xi32, #tpu.memory_space<vmem>>
          %dma_start3A_269 = tpu.memref_slice %arg2[%add3A_247] : memref<819200xi32, #tpu.memory_space<hbm>> -> memref<800xi32, #tpu.memory_space<hbm>>
          tpu.enqueue_dma source(%dma_start3A_269 : memref<800xi32, #tpu.memory_space<hbm>>) target(%dma_start3A_268 : memref<800xi32, #tpu.memory_space<vmem>>) target_semaphore(%run_scoped3A_261 : memref<!tpu.dma_semaphore, #tpu.memory_space<semaphore_mem>>)
          %dma_wait3A_270 = arith.constant 0 : i32
          %dma_wait3A_271 = tpu.memref_slice %arg5[%run_scoped3A_248, %dma_wait3A_270] : memref<4x800xi32, #tpu.memory_space<vmem>> -> memref<1x800xi32, #tpu.memory_space<vmem>>
          %dma_wait3A_272 = tpu.memref_squeeze %dma_wait3A_271 : memref<1x800xi32, #tpu.memory_space<vmem>> -> memref<800xi32, #tpu.memory_space<vmem>>
          %dma_wait3A_273 = tpu.memref_slice %arg2[%add3A_247] : memref<819200xi32, #tpu.memory_space<hbm>> -> memref<800xi32, #tpu.memory_space<hbm>>
          %dma_wait3A_274 = arith.constant 0 : i32
          %dma_wait3A_275 = tpu.memref_slice %arg5[%run_scoped3A_248, %dma_wait3A_274] : memref<4x800xi32, #tpu.memory_space<vmem>> -> memref<1x800xi32, #tpu.memory_space<vmem>>
          %dma_wait3A_276 = tpu.memref_squeeze %dma_wait3A_275 : memref<1x800xi32, #tpu.memory_space<vmem>> -> memref<800xi32, #tpu.memory_space<vmem>>
          %dma_wait3A_277 = tpu.memref_slice %arg2[%add3A_247] : memref<819200xi32, #tpu.memory_space<hbm>> -> memref<800xi32, #tpu.memory_space<hbm>>
          tpu.wait_dma2 semaphore(%run_scoped3A_261 : memref<!tpu.dma_semaphore, #tpu.memory_space<semaphore_mem>>) src(%dma_wait3A_277 : memref<800xi32, #tpu.memory_space<hbm>>) dst(%dma_wait3A_276 : memref<800xi32, #tpu.memory_space<vmem>>)
          tpu.yield
        }) : () -> ()
        %dma_start3A_249 = arith.constant 0 : i32
        %dma_start3A_250 = arith.constant 0 : i32
        %dma_start3A_251 = arith.constant 0 : i32
        %dma_start3A_252 = arith.constant 0 : i32
        %dma_start3A_253 = tpu.memref_slice %arg6[%dma_start3A_250, %dma_start3A_251, %dma_start3A_252] : memref<4x800x32xf32, #tpu.memory_space<vmem>> -> memref<1x800x32xf32, #tpu.memory_space<vmem>>
        %dma_start3A_254 = tpu.memref_squeeze %dma_start3A_253 : memref<1x800x32xf32, #tpu.memory_space<vmem>> -> memref<800x32xf32, #tpu.memory_space<vmem>>
        %dma_start3A_255 = arith.constant 0 : i32
        %dma_start3A_256 = tpu.memref_slice %arg5[%dma_start3A_249, %dma_start3A_255] : memref<4x800xi32, #tpu.memory_space<vmem>> -> memref<1x800xi32, #tpu.memory_space<vmem>>
        %dma_start3A_257 = tpu.memref_squeeze %dma_start3A_256 : memref<1x800xi32, #tpu.memory_space<vmem>> -> memref<800xi32, #tpu.memory_space<vmem>>
        %dma_start3A_258 = arith.constant 0 : i32
        %dma_start3A_259 = arith.constant 0 : i32
        %dma_start3A_260 = tpu.memref_slice %arg3[%dma_start3A_258, %dma_start3A_259] : memref<4000000x32xf32, #tpu.memory_space<hbm>> -> memref<4000000x32xf32, #tpu.memory_space<hbm>>
        tpu.enqueue_indirect_dma source(%dma_start3A_260 : memref<4000000x32xf32, #tpu.memory_space<hbm>>) target(%dma_start3A_254 : memref<800x32xf32, #tpu.memory_space<vmem>>) offsets(%dma_start3A_257 : memref<800xi32, #tpu.memory_space<vmem>>) semaphore(%arg7 : memref<!tpu.dma_semaphore, #tpu.memory_space<semaphore_mem>>)
      } else {
      }
      %mul3A_202 = arith.constant 4 : i32
      %mul3A_203 = arith.muli %scan3A_87, %mul3A_202 : i32
      %add3A_204 = arith.constant 3 : i32
      %add3A_205 = arith.addi %mul3A_203, %add3A_204 : i32
      %dma_wait3A_206 = arith.constant 3 : i32
      %dma_wait3A_207 = arith.constant 3 : i32
      %dma_wait3A_208 = arith.constant 0 : i32
      %dma_wait3A_209 = arith.constant 0 : i32
      %dma_wait3A_210 = tpu.memref_slice %arg6[%dma_wait3A_207, %dma_wait3A_208, %dma_wait3A_209] : memref<4x800x32xf32, #tpu.memory_space<vmem>> -> memref<1x800x32xf32, #tpu.memory_space<vmem>>
      %dma_wait3A_211 = tpu.memref_squeeze %dma_wait3A_210 : memref<1x800x32xf32, #tpu.memory_space<vmem>> -> memref<800x32xf32, #tpu.memory_space<vmem>>
      %dma_wait3A_212 = arith.constant 0 : i32
      %dma_wait3A_213 = tpu.memref_slice %arg5[%dma_wait3A_206, %dma_wait3A_212] : memref<4x800xi32, #tpu.memory_space<vmem>> -> memref<1x800xi32, #tpu.memory_space<vmem>>
      %dma_wait3A_214 = tpu.memref_squeeze %dma_wait3A_213 : memref<1x800xi32, #tpu.memory_space<vmem>> -> memref<800xi32, #tpu.memory_space<vmem>>
      %dma_wait3A_215 = arith.constant 0 : i32
      %dma_wait3A_216 = arith.constant 0 : i32
      %dma_wait3A_217 = tpu.memref_slice %arg3[%dma_wait3A_215, %dma_wait3A_216] : memref<4000000x32xf32, #tpu.memory_space<hbm>> -> memref<4000000x32xf32, #tpu.memory_space<hbm>>
      tpu.wait_indirect_dma semaphore(%arg10 : memref<!tpu.dma_semaphore, #tpu.memory_space<semaphore_mem>>) src(%dma_wait3A_217 : memref<4000000x32xf32, #tpu.memory_space<hbm>>) dst(%dma_wait3A_211 : memref<800x32xf32, #tpu.memory_space<vmem>>)
      %mul3A_218 = arith.constant 800 : i32
      %mul3A_219 = arith.muli %add3A_205, %mul3A_218 : i32
      %add3A_220 = arith.addi %mul3A_2, %mul3A_219 : i32
      %dma_start3A_221 = arith.constant 3 : i32
      %dma_start3A_222 = arith.constant 0 : i32
      %dma_start3A_223 = arith.constant 0 : i32
      %dma_start3A_224 = tpu.memref_slice %arg6[%dma_start3A_221, %dma_start3A_222, %dma_start3A_223] : memref<4x800x32xf32, #tpu.memory_space<vmem>> -> memref<1x800x32xf32, #tpu.memory_space<vmem>>
      %dma_start3A_225 = tpu.memref_squeeze %dma_start3A_224 : memref<1x800x32xf32, #tpu.memory_space<vmem>> -> memref<800x32xf32, #tpu.memory_space<vmem>>
      %dma_start3A_226 = arith.constant 0 : i32
      %dma_start3A_227 = tpu.memref_slice %arg4[%add3A_220, %dma_start3A_226] : memref<819200x128xf32, #tpu.memory_space<hbm>> -> memref<800x32xf32, #tpu.memory_space<hbm>>
      %dma_start3A_228 = arith.constant 0 : i32
      %dma_start3A_229 = tpu.memref_slice %arg4[%add3A_220, %dma_start3A_228] : memref<819200x128xf32, #tpu.memory_space<hbm>> -> memref<800x32xf32, #tpu.memory_space<hbm>>
      %dma_start3A_230 = arith.constant 0 : i32
      %dma_start3A_231 = arith.constant 0 : i32
      %dma_start3A_232 = tpu.memref_slice %arg6[%dma_start3A_221, %dma_start3A_230, %dma_start3A_231] : memref<4x800x32xf32, #tpu.memory_space<vmem>> -> memref<1x800x32xf32, #tpu.memory_space<vmem>>
      %dma_start3A_233 = tpu.memref_squeeze %dma_start3A_232 : memref<1x800x32xf32, #tpu.memory_space<vmem>> -> memref<800x32xf32, #tpu.memory_space<vmem>>
      tpu.enqueue_dma source(%dma_start3A_233 : memref<800x32xf32, #tpu.memory_space<vmem>>) target(%dma_start3A_229 : memref<800x32xf32, #tpu.memory_space<hbm>>) target_semaphore(%arg14 : memref<!tpu.dma_semaphore, #tpu.memory_space<semaphore_mem>>)
      %add3A_234 = arith.constant 2 : i32
      %add3A_235 = arith.addi %add3A_205, %add3A_234 : i32
      %lt3A_236 = arith.constant 32 : i32
      %lt3A_237 = arith.cmpi slt, %add3A_235, %lt3A_236 : i32
      %convert_element_type3A_238 = arith.extui %lt3A_237 : i1 to i32
      %cond3A_239 = arith.constant 0 : i32
      %cond3A_240 = arith.cmpi ne, %convert_element_type3A_238, %cond3A_239 : i32
      scf.if %cond3A_240 {
        %ge3A = arith.constant 4 : i32
        %ge3A_241 = arith.cmpi sge, %add3A_235, %ge3A : i32
        %convert_element_type3A_242 = arith.extui %ge3A_241 : i1 to i32
        %cond3A_243 = arith.constant 0 : i32
        %cond3A_244 = arith.cmpi ne, %convert_element_type3A_242, %cond3A_243 : i32
        scf.if %cond3A_244 {
          %dma_wait3A_261 = arith.constant 1 : i32
          %dma_wait3A_262 = arith.constant 0 : i32
          %dma_wait3A_263 = arith.constant 0 : i32
          %dma_wait3A_264 = tpu.memref_slice %arg6[%dma_wait3A_261, %dma_wait3A_262, %dma_wait3A_263] : memref<4x800x32xf32, #tpu.memory_space<vmem>> -> memref<1x800x32xf32, #tpu.memory_space<vmem>>
          %dma_wait3A_265 = tpu.memref_squeeze %dma_wait3A_264 : memref<1x800x32xf32, #tpu.memory_space<vmem>> -> memref<800x32xf32, #tpu.memory_space<vmem>>
          %dma_wait3A_266 = arith.constant 0 : i32
          %dma_wait3A_267 = tpu.memref_slice %arg4[%mul3A_2, %dma_wait3A_266] : memref<819200x128xf32, #tpu.memory_space<hbm>> -> memref<800x32xf32, #tpu.memory_space<hbm>>
          %dma_wait3A_268 = arith.constant 0 : i32
          %dma_wait3A_269 = tpu.memref_slice %arg4[%mul3A_2, %dma_wait3A_268] : memref<819200x128xf32, #tpu.memory_space<hbm>> -> memref<800x32xf32, #tpu.memory_space<hbm>>
          %dma_wait3A_270 = arith.constant 0 : i32
          %dma_wait3A_271 = arith.constant 0 : i32
          %dma_wait3A_272 = tpu.memref_slice %arg6[%dma_wait3A_261, %dma_wait3A_270, %dma_wait3A_271] : memref<4x800x32xf32, #tpu.memory_space<vmem>> -> memref<1x800x32xf32, #tpu.memory_space<vmem>>
          %dma_wait3A_273 = tpu.memref_squeeze %dma_wait3A_272 : memref<1x800x32xf32, #tpu.memory_space<vmem>> -> memref<800x32xf32, #tpu.memory_space<vmem>>
          tpu.wait_dma2 semaphore(%arg12 : memref<!tpu.dma_semaphore, #tpu.memory_space<semaphore_mem>>) src(%dma_wait3A_273 : memref<800x32xf32, #tpu.memory_space<vmem>>) dst(%dma_wait3A_269 : memref<800x32xf32, #tpu.memory_space<hbm>>)
        } else {
        }
        %mul3A_245 = arith.constant 800 : i32
        %mul3A_246 = arith.muli %add3A_235, %mul3A_245 : i32
        %add3A_247 = arith.addi %mul3A_2, %mul3A_246 : i32
        %run_scoped3A_248 = arith.constant 1 : i32
        "tpu.region"() ({
          %run_scoped3A_261 = tpu.sem_alloc : memref<!tpu.dma_semaphore, #tpu.memory_space<semaphore_mem>>
          %dma_start3A_262 = arith.constant 0 : i32
          %dma_start3A_263 = tpu.memref_slice %arg5[%run_scoped3A_248, %dma_start3A_262] : memref<4x800xi32, #tpu.memory_space<vmem>> -> memref<1x800xi32, #tpu.memory_space<vmem>>
          %dma_start3A_264 = tpu.memref_squeeze %dma_start3A_263 : memref<1x800xi32, #tpu.memory_space<vmem>> -> memref<800xi32, #tpu.memory_space<vmem>>
          %dma_start3A_265 = tpu.memref_slice %arg2[%add3A_247] : memref<819200xi32, #tpu.memory_space<hbm>> -> memref<800xi32, #tpu.memory_space<hbm>>
          %dma_start3A_266 = arith.constant 0 : i32
          %dma_start3A_267 = tpu.memref_slice %arg5[%run_scoped3A_248, %dma_start3A_266] : memref<4x800xi32, #tpu.memory_space<vmem>> -> memref<1x800xi32, #tpu.memory_space<vmem>>
          %dma_start3A_268 = tpu.memref_squeeze %dma_start3A_267 : memref<1x800xi32, #tpu.memory_space<vmem>> -> memref<800xi32, #tpu.memory_space<vmem>>
          %dma_start3A_269 = tpu.memref_slice %arg2[%add3A_247] : memref<819200xi32, #tpu.memory_space<hbm>> -> memref<800xi32, #tpu.memory_space<hbm>>
          tpu.enqueue_dma source(%dma_start3A_269 : memref<800xi32, #tpu.memory_space<hbm>>) target(%dma_start3A_268 : memref<800xi32, #tpu.memory_space<vmem>>) target_semaphore(%run_scoped3A_261 : memref<!tpu.dma_semaphore, #tpu.memory_space<semaphore_mem>>)
          %dma_wait3A_270 = arith.constant 0 : i32
          %dma_wait3A_271 = tpu.memref_slice %arg5[%run_scoped3A_248, %dma_wait3A_270] : memref<4x800xi32, #tpu.memory_space<vmem>> -> memref<1x800xi32, #tpu.memory_space<vmem>>
          %dma_wait3A_272 = tpu.memref_squeeze %dma_wait3A_271 : memref<1x800xi32, #tpu.memory_space<vmem>> -> memref<800xi32, #tpu.memory_space<vmem>>
          %dma_wait3A_273 = tpu.memref_slice %arg2[%add3A_247] : memref<819200xi32, #tpu.memory_space<hbm>> -> memref<800xi32, #tpu.memory_space<hbm>>
          %dma_wait3A_274 = arith.constant 0 : i32
          %dma_wait3A_275 = tpu.memref_slice %arg5[%run_scoped3A_248, %dma_wait3A_274] : memref<4x800xi32, #tpu.memory_space<vmem>> -> memref<1x800xi32, #tpu.memory_space<vmem>>
          %dma_wait3A_276 = tpu.memref_squeeze %dma_wait3A_275 : memref<1x800xi32, #tpu.memory_space<vmem>> -> memref<800xi32, #tpu.memory_space<vmem>>
          %dma_wait3A_277 = tpu.memref_slice %arg2[%add3A_247] : memref<819200xi32, #tpu.memory_space<hbm>> -> memref<800xi32, #tpu.memory_space<hbm>>
          tpu.wait_dma2 semaphore(%run_scoped3A_261 : memref<!tpu.dma_semaphore, #tpu.memory_space<semaphore_mem>>) src(%dma_wait3A_277 : memref<800xi32, #tpu.memory_space<hbm>>) dst(%dma_wait3A_276 : memref<800xi32, #tpu.memory_space<vmem>>)
          tpu.yield
        }) : () -> ()
        %dma_start3A_249 = arith.constant 1 : i32
        %dma_start3A_250 = arith.constant 1 : i32
        %dma_start3A_251 = arith.constant 0 : i32
        %dma_start3A_252 = arith.constant 0 : i32
        %dma_start3A_253 = tpu.memref_slice %arg6[%dma_start3A_250, %dma_start3A_251, %dma_start3A_252] : memref<4x800x32xf32, #tpu.memory_space<vmem>> -> memref<1x800x32xf32, #tpu.memory_space<vmem>>
        %dma_start3A_254 = tpu.memref_squeeze %dma_start3A_253 : memref<1x800x32xf32, #tpu.memory_space<vmem>> -> memref<800x32xf32, #tpu.memory_space<vmem>>
        %dma_start3A_255 = arith.constant 0 : i32
        %dma_start3A_256 = tpu.memref_slice %arg5[%dma_start3A_249, %dma_start3A_255] : memref<4x800xi32, #tpu.memory_space<vmem>> -> memref<1x800xi32, #tpu.memory_space<vmem>>
        %dma_start3A_257 = tpu.memref_squeeze %dma_start3A_256 : memref<1x800xi32, #tpu.memory_space<vmem>> -> memref<800xi32, #tpu.memory_space<vmem>>
        %dma_start3A_258 = arith.constant 0 : i32
        %dma_start3A_259 = arith.constant 0 : i32
        %dma_start3A_260 = tpu.memref_slice %arg3[%dma_start3A_258, %dma_start3A_259] : memref<4000000x32xf32, #tpu.memory_space<hbm>> -> memref<4000000x32xf32, #tpu.memory_space<hbm>>
        tpu.enqueue_indirect_dma source(%dma_start3A_260 : memref<4000000x32xf32, #tpu.memory_space<hbm>>) target(%dma_start3A_254 : memref<800x32xf32, #tpu.memory_space<vmem>>) offsets(%dma_start3A_257 : memref<800xi32, #tpu.memory_space<vmem>>) semaphore(%arg8 : memref<!tpu.dma_semaphore, #tpu.memory_space<semaphore_mem>>)
      } else {
      }
    }
    %scan3A_35 = arith.constant 8 : i32
    %dma_wait3A = arith.constant 0 : i32
    %dma_wait3A_36 = arith.constant 0 : i32
    %dma_wait3A_37 = arith.constant 0 : i32
    %dma_wait3A_38 = tpu.memref_slice %arg6[%dma_wait3A, %dma_wait3A_36, %dma_wait3A_37] : memref<4x800x32xf32, #tpu.memory_space<vmem>> -> memref<1x800x32xf32, #tpu.memory_space<vmem>>
    %dma_wait3A_39 = tpu.memref_squeeze %dma_wait3A_38 : memref<1x800x32xf32, #tpu.memory_space<vmem>> -> memref<800x32xf32, #tpu.memory_space<vmem>>
    %dma_wait3A_40 = arith.constant 0 : i32
    %dma_wait3A_41 = tpu.memref_slice %arg4[%mul3A_2, %dma_wait3A_40] : memref<819200x128xf32, #tpu.memory_space<hbm>> -> memref<800x32xf32, #tpu.memory_space<hbm>>
    %dma_wait3A_42 = arith.constant 0 : i32
    %dma_wait3A_43 = tpu.memref_slice %arg4[%mul3A_2, %dma_wait3A_42] : memref<819200x128xf32, #tpu.memory_space<hbm>> -> memref<800x32xf32, #tpu.memory_space<hbm>>
    %dma_wait3A_44 = arith.constant 0 : i32
    %dma_wait3A_45 = arith.constant 0 : i32
    %dma_wait3A_46 = tpu.memref_slice %arg6[%dma_wait3A, %dma_wait3A_44, %dma_wait3A_45] : memref<4x800x32xf32, #tpu.memory_space<vmem>> -> memref<1x800x32xf32, #tpu.memory_space<vmem>>
    %dma_wait3A_47 = tpu.memref_squeeze %dma_wait3A_46 : memref<1x800x32xf32, #tpu.memory_space<vmem>> -> memref<800x32xf32, #tpu.memory_space<vmem>>
    tpu.wait_dma2 semaphore(%arg11 : memref<!tpu.dma_semaphore, #tpu.memory_space<semaphore_mem>>) src(%dma_wait3A_47 : memref<800x32xf32, #tpu.memory_space<vmem>>) dst(%dma_wait3A_43 : memref<800x32xf32, #tpu.memory_space<hbm>>)
    %dma_wait3A_48 = arith.constant 1 : i32
    %dma_wait3A_49 = arith.constant 0 : i32
    %dma_wait3A_50 = arith.constant 0 : i32
    %dma_wait3A_51 = tpu.memref_slice %arg6[%dma_wait3A_48, %dma_wait3A_49, %dma_wait3A_50] : memref<4x800x32xf32, #tpu.memory_space<vmem>> -> memref<1x800x32xf32, #tpu.memory_space<vmem>>
    %dma_wait3A_52 = tpu.memref_squeeze %dma_wait3A_51 : memref<1x800x32xf32, #tpu.memory_space<vmem>> -> memref<800x32xf32, #tpu.memory_space<vmem>>
    %dma_wait3A_53 = arith.constant 0 : i32
    %dma_wait3A_54 = tpu.memref_slice %arg4[%mul3A_2, %dma_wait3A_53] : memref<819200x128xf32, #tpu.memory_space<hbm>> -> memref<800x32xf32, #tpu.memory_space<hbm>>
    %dma_wait3A_55 = arith.constant 0 : i32
    %dma_wait3A_56 = tpu.memref_slice %arg4[%mul3A_2, %dma_wait3A_55] : memref<819200x128xf32, #tpu.memory_space<hbm>> -> memref<800x32xf32, #tpu.memory_space<hbm>>
    %dma_wait3A_57 = arith.constant 0 : i32
    %dma_wait3A_58 = arith.constant 0 : i32
    %dma_wait3A_59 = tpu.memref_slice %arg6[%dma_wait3A_48, %dma_wait3A_57, %dma_wait3A_58] : memref<4x800x32xf32, #tpu.memory_space<vmem>> -> memref<1x800x32xf32, #tpu.memory_space<vmem>>
    %dma_wait3A_60 = tpu.memref_squeeze %dma_wait3A_59 : memref<1x800x32xf32, #tpu.memory_space<vmem>> -> memref<800x32xf32, #tpu.memory_space<vmem>>
    tpu.wait_dma2 semaphore(%arg12 : memref<!tpu.dma_semaphore, #tpu.memory_space<semaphore_mem>>) src(%dma_wait3A_60 : memref<800x32xf32, #tpu.memory_space<vmem>>) dst(%dma_wait3A_56 : memref<800x32xf32, #tpu.memory_space<hbm>>)
    %dma_wait3A_61 = arith.constant 2 : i32
    %dma_wait3A_62 = arith.constant 0 : i32
    %dma_wait3A_63 = arith.constant 0 : i32
    %dma_wait3A_64 = tpu.memref_slice %arg6[%dma_wait3A_61, %dma_wait3A_62, %dma_wait3A_63] : memref<4x800x32xf32, #tpu.memory_space<vmem>> -> memref<1x800x32xf32, #tpu.memory_space<vmem>>
    %dma_wait3A_65 = tpu.memref_squeeze %dma_wait3A_64 : memref<1x800x32xf32, #tpu.memory_space<vmem>> -> memref<800x32xf32, #tpu.memory_space<vmem>>
    %dma_wait3A_66 = arith.constant 0 : i32
    %dma_wait3A_67 = tpu.memref_slice %arg4[%mul3A_2, %dma_wait3A_66] : memref<819200x128xf32, #tpu.memory_space<hbm>> -> memref<800x32xf32, #tpu.memory_space<hbm>>
    %dma_wait3A_68 = arith.constant 0 : i32
    %dma_wait3A_69 = tpu.memref_slice %arg4[%mul3A_2, %dma_wait3A_68] : memref<819200x128xf32, #tpu.memory_space<hbm>> -> memref<800x32xf32, #tpu.memory_space<hbm>>
    %dma_wait3A_70 = arith.constant 0 : i32
    %dma_wait3A_71 = arith.constant 0 : i32
    %dma_wait3A_72 = tpu.memref_slice %arg6[%dma_wait3A_61, %dma_wait3A_70, %dma_wait3A_71] : memref<4x800x32xf32, #tpu.memory_space<vmem>> -> memref<1x800x32xf32, #tpu.memory_space<vmem>>
    %dma_wait3A_73 = tpu.memref_squeeze %dma_wait3A_72 : memref<1x800x32xf32, #tpu.memory_space<vmem>> -> memref<800x32xf32, #tpu.memory_space<vmem>>
    tpu.wait_dma2 semaphore(%arg13 : memref<!tpu.dma_semaphore, #tpu.memory_space<semaphore_mem>>) src(%dma_wait3A_73 : memref<800x32xf32, #tpu.memory_space<vmem>>) dst(%dma_wait3A_69 : memref<800x32xf32, #tpu.memory_space<hbm>>)
    %dma_wait3A_74 = arith.constant 3 : i32
    %dma_wait3A_75 = arith.constant 0 : i32
    %dma_wait3A_76 = arith.constant 0 : i32
    %dma_wait3A_77 = tpu.memref_slice %arg6[%dma_wait3A_74, %dma_wait3A_75, %dma_wait3A_76] : memref<4x800x32xf32, #tpu.memory_space<vmem>> -> memref<1x800x32xf32, #tpu.memory_space<vmem>>
    %dma_wait3A_78 = tpu.memref_squeeze %dma_wait3A_77 : memref<1x800x32xf32, #tpu.memory_space<vmem>> -> memref<800x32xf32, #tpu.memory_space<vmem>>
    %dma_wait3A_79 = arith.constant 0 : i32
    %dma_wait3A_80 = tpu.memref_slice %arg4[%mul3A_2, %dma_wait3A_79] : memref<819200x128xf32, #tpu.memory_space<hbm>> -> memref<800x32xf32, #tpu.memory_space<hbm>>
    %dma_wait3A_81 = arith.constant 0 : i32
    %dma_wait3A_82 = tpu.memref_slice %arg4[%mul3A_2, %dma_wait3A_81] : memref<819200x128xf32, #tpu.memory_space<hbm>> -> memref<800x32xf32, #tpu.memory_space<hbm>>
    %dma_wait3A_83 = arith.constant 0 : i32
    %dma_wait3A_84 = arith.constant 0 : i32
    %dma_wait3A_85 = tpu.memref_slice %arg6[%dma_wait3A_74, %dma_wait3A_83, %dma_wait3A_84] : memref<4x800x32xf32, #tpu.memory_space<vmem>> -> memref<1x800x32xf32, #tpu.memory_space<vmem>>
    %dma_wait3A_86 = tpu.memref_squeeze %dma_wait3A_85 : memref<1x800x32xf32, #tpu.memory_space<vmem>> -> memref<800x32xf32, #tpu.memory_space<vmem>>
    tpu.wait_dma2 semaphore(%arg14 : memref<!tpu.dma_semaphore, #tpu.memory_space<semaphore_mem>>) src(%dma_wait3A_86 : memref<800x32xf32, #tpu.memory_space<vmem>>) dst(%dma_wait3A_82 : memref<800x32xf32, #tpu.memory_space<hbm>>)
    return
  }
}

module attributes {stable_mosaic.version = 14 : i64} {
  func.func @_tab_transpose_body(%arg0: i32, %arg1: memref<32x4096xf32, #tpu.memory_space<vmem>>, %arg2: memref<4096x128xf32, #tpu.memory_space<vmem>>) attributes {dimension_semantics = [#tpu.dimension_semantics<arbitrary>], iteration_bounds = array<i64: 245>, scalar_prefetch = 0 : i64, scratch_operands = 0 : i64, tpu.core_type = #tpu.core_type<tc>, window_params = [{transform_indices = @transform_0, window_bounds = array<i64: 32, 4096>}, {transform_indices = @transform_1, window_bounds = array<i64: 4096, 128>}]} {
    %get3A = arith.constant 0 : index
    %get3A_0 = arith.constant 0 : index
    %get3A_1 = vector.load %arg1[%get3A, %get3A_0] : memref<32x4096xf32, #tpu.memory_space<vmem>>, vector<32x4096xf32>
    %transpose3A = tpu.transpose %get3A_1, [1, 0] : vector<32x4096xf32> -> vector<4096x32xf32>
    %mul3A = arith.constant 5.65685415 : f32
    %mul3A_2 = vector.broadcast %mul3A : f32 to vector<4096x32xf32>
    %mul3A_3 = arith.mulf %transpose3A, %mul3A_2 : vector<4096x32xf32>
    %swap3A = arith.constant 0 : index
    %swap3A_4 = arith.constant 0 : index
    %swap3A_5 = vector.load %arg2[%swap3A, %swap3A_4] : memref<4096x128xf32, #tpu.memory_space<vmem>>, vector<4096x32xf32>
    tpu.vector_store %arg2[%swap3A, %swap3A_4], %mul3A_3 {strides = array<i32>} : memref<4096x128xf32, #tpu.memory_space<vmem>>, vector<4096x32xf32>,
    return
  }
  func.func @transform_0(%arg0: i32) -> (i32, i32) {
    %c0_i32 = arith.constant 0 : i32
    %c0_i32_0 = arith.constant 0 : i32
    return %c0_i32, %arg0 : i32, i32
  }
  func.func @transform_1(%arg0: i32) -> (i32, i32) {
    %c0_i32 = arith.constant 0 : i32
    %c0_i32_0 = arith.constant 0 : i32
    return %arg0, %c0_i32 : i32, i32
  }
}

</mosaic_0001>

<sc_bundles>
// kernel: kernel.4.cloned.1.call-start
scs
__scs_entry_jumppad:
0x0: {  	(pc) =	sbr.rel $0x88, $3  }
0x1: {  	(tag) =	ssettag $0x0;
	lr =	simm.s32 $0x1  }
0x2: {  	[smem:$0x3F9F] =	sst lr;
	_ =	strace $0xD0000000  }
0x3: {  	_ = 	snop  }
0x4: {  	_ = 	snop  }
0x5: {  	_ = 	snop  }
0x6: {  	_ = 	snop  }
0x7: {  	_ = 	snop  }
__scs_overlays_trampoline_lowered:
0x8: {  	[smem:$0x3FAE] =	sst s0  }
0x9: {  	[smem:$0x3FAF] =	sst s1  }
0xa: {  	[smem:$0x3FB0] =	sst s2  }
0xb: {  	[smem:$0x3FB1] =	sst s3  }
0xc: {  	[smem:$0x3FB2] =	sst s4  }
0xd: {  	[smem:$0x3FB3] =	sst s5  }
0xe: {  	[smem:$0x3FB4] =	sst s6  }
0xf: {  	[smem:$0x3FB5] =	sst s7  }
0x10: {  	[smem:$0x3FB6] =	sst s8  }
0x11: {  	[smem:$0x3FB7] =	sst s9;
	s0 =	simm.s32 @!p0 $0x0  }
0x12: {  	s1 =	sld [smem:$0x3F9D];
	s0 =	simm.s32 @p0 $0x1  }
0x13: {  	[smem:$0x3FB8] =	sst s0;
	s0 =	simm.s32 @!p1 $0x0  }
0x14: {  	s2 =	sld [smem:$0x3F9C];
	s0 =	simm.s32 @p1 $0x1  }
0x15: {  	[smem:$0x3FB9] =	sst s0;
	s0 =	simm.s32 @!p2 $0x0  }
0x16: {  	s3 =	sld [smem:$0x3FDB];
	s0 =	simm.s32 @p2 $0x1  }
0x17: {  	s4 =	simm.s32 $0x1BF5;
	[smem:$0x3FBB] =	sst s0  }
0x18: {  	s0 =	sld [smem:$0x3F9E];
	_ =	swait.ge [sflag:s4], $0x0  }
0x19: {  	s7 =	sld [smem:$0x3F9F]  }
0x1a: {  	s8 =	sadd.s32 $0xFFFFE003, lr  }
0x1b: {  	s9 =	sadd.s32 $0xFFFFFEF7, lr;
	s5 =	simm.s32 $0xFFFFFFFF;
	p2 =	slt.u32 s8, $0xFFFFF086  }
0x1c: {  	p1 =	slt.u32 s9, $0xF7A;
	s5 =	simm.s32 @!p2 $0x0  }
0x1d: {  	s5 =	simm.s32 @p1 $0x1;
	p0 =	seq.s32 s7, s2  }
0x1e: {  	s7 =	smul.u32 @!p0 $0xF7A, s2;
	p2 =	seq.s32 @!p0 s5, $0x0  }
0x1f: {  	s9 =	smul.u32 $0xF7A, s1;
	s8 =	simm.s32 @!p0 $0x1BF5;
	p2 =	por !p2, p0  }
0x20: {  	[sflag:s8] =	ssyncset.s32 @!p0 $0xFFFFF086;
	s6 =	sadd.s32 @!p0 s3, s7;
	s7 =	simm.s32 @!p0 $0x108  }
0x21: {  	s3 =	sadd.s32 s3, s9;
	s6 =	sadd.s32 @!p0 $0x88, s6;
	s7 =	simm.s32 @p2 $0x1082  }
0x22: {  	[simem:s7], [sflag:s8] =	dma.local @!p0 [hbm:s6], $0xF7A  }
0x23: {  	s9 =	sor.u32 $0xD0000000, s2;
	s6 =	simm.s32 $0x108;
	_ =	swait.ge @!p0 [sflag:s8], $0x0  }
0x24: {  	s3 =	sadd.s32 $0x88, s3;
	s6 =	simm.s32 @!p1 $0x1082;
	[sflag:s4] =	ssyncset.s32 $0xFFFFF086  }
0x25: {  	[simem:s6], [sflag:s4] =	dma.local [hbm:s3], $0xF7A  }
0x26: {  	[smem:$0x3F9F] =	sst s1;
	(tag) =	ssettag s2;
	_ =	strace s9  }
0x27: {  	s1 =	sld [smem:$0x3FAF]  }
0x28: {  	s2 =	sld [smem:$0x3FB0]  }
0x29: {  	s4 =	sld [smem:$0x3FB2]  }
0x2a: {  	p0 =	seq.s32 s5, $0x0;
	s5 =	sld [smem:$0x3FB3]  }
0x2b: {  	s6 =	sld [smem:$0x3FB4]  }
0x2c: {  	s7 =	sld [smem:$0x3FB5]  }
0x2d: {  	s3 =	simm.s32 $0x108;
	s8 =	sld [smem:$0x3FB6]  }
0x2e: {  	s3 =	simm.s32 @!p0 $0x1082;
	s9 =	sld [smem:$0x3FB7]  }
0x2f: {  	lr =	sadd.s32 s0, s3;
	s0 =	sld [smem:$0x3FAE]  }
0x30: {  	s3 =	sld [smem:$0x3FB1]  }
0x31: {  	[smem:$0x3FBA] =	sst s10  }
0x32: {  	s10 =	sld [smem:$0x3FB8];
	_ =	sdelay $0x3  }
0x33: {  	p0 =	seq.s32 s10, $0x1;
	s10 =	sld [smem:$0x3FBA];
	_ =	sdelay $0x3  }
0x34: {  	[smem:$0x3FBA] =	sst s10  }
0x35: {  	s10 =	sld [smem:$0x3FB9];
	_ =	sdelay $0x3  }
0x36: {  	p1 =	seq.s32 s10, $0x1;
	s10 =	sld [smem:$0x3FBA];
	_ =	sdelay $0x3  }
0x37: {  	[smem:$0x3FBA] =	sst s10  }
0x38: {  	s10 =	sld [smem:$0x3FBB]  }
0x39: {  	_ = 	snop;
	(pc) =	sbr.ind lr, $3  }
0x3a: {  	_ = 	snop  }
0x3b: {  	_ = 	snop  }
0x3c: {  	p2 =	seq.s32 s10, $0x1;
	s10 =	sld [smem:$0x3FBA]  }
0x3d: {  	_ =	shalt  }
0x3e: {  	_ =	shalt  }
0x3f: {  	_ =	shalt  }
0x40: {  	_ =	shalt  }
0x41: {  	_ =	shalt  }
0x42: {  	_ =	shalt  }
0x43: {  	_ =	shalt  }
0x44: {  	_ =	shalt  }
0x45: {  	_ =	shalt  }
0x46: {  	_ =	shalt  }
0x47: {  	_ =	shalt  }
0x48: {  	_ =	shalt  }
0x49: {  	_ =	shalt  }
0x4a: {  	_ =	shalt  }
0x4b: {  	_ =	shalt  }
0x4c: {  	_ =	shalt  }
0x4d: {  	_ =	shalt  }
0x4e: {  	_ =	shalt  }
0x4f: {  	_ =	shalt  }
0x50: {  	_ =	shalt  }
0x51: {  	_ =	shalt  }
0x52: {  	_ =	shalt  }
0x53: {  	_ =	shalt  }
0x54: {  	_ =	shalt  }
0x55: {  	_ =	shalt  }
0x56: {  	_ =	shalt  }
0x57: {  	_ =	shalt  }
0x58: {  	_ =	shalt  }
0x59: {  	_ =	shalt  }
0x5a: {  	_ =	shalt  }
0x5b: {  	_ =	shalt  }
0x5c: {  	_ =	shalt  }
0x5d: {  	_ =	shalt  }
0x5e: {  	_ =	shalt  }
0x5f: {  	_ =	shalt  }
0x60: {  	_ =	shalt  }
0x61: {  	_ =	shalt  }
0x62: {  	_ =	shalt  }
0x63: {  	_ =	shalt  }
0x64: {  	_ =	shalt  }
0x65: {  	_ =	shalt  }
0x66: {  	_ =	shalt  }
0x67: {  	_ =	shalt  }
0x68: {  	_ =	shalt  }
0x69: {  	_ =	shalt  }
0x6a: {  	_ =	shalt  }
0x6b: {  	_ =	shalt  }
0x6c: {  	_ =	shalt  }
0x6d: {  	_ =	shalt  }
0x6e: {  	_ =	shalt  }
0x6f: {  	_ =	shalt  }
0x70: {  	_ =	shalt  }
0x71: {  	_ =	shalt  }
0x72: {  	_ =	shalt  }
0x73: {  	_ =	shalt  }
0x74: {  	_ =	shalt  }
0x75: {  	_ =	shalt  }
0x76: {  	_ =	shalt  }
0x77: {  	_ =	shalt  }
0x78: {  	_ =	shalt  }
0x79: {  	_ =	shalt  }
0x7a: {  	_ =	shalt  }
0x7b: {  	_ =	shalt  }
0x7c: {  	_ =	shalt  }
0x7d: {  	_ =	shalt  }
0x7e: {  	_ =	shalt  }
0x7f: {  	_ =	shalt  }
0x80: {  	_ =	shalt  }
0x81: {  	_ =	shalt  }
0x82: {  	_ =	shalt  }
0x83: {  	_ =	shalt  }
0x84: {  	_ =	shalt  }
0x85: {  	_ =	shalt  }
0x86: {  	_ =	shalt  }
0x87: {  	_ =	shalt  }
.Lfunc_end0:
.L_simem_size_0:
called_computation.1_lowered:
.L_overlay_start_0:
0x88: {  	s2 =	sld [smem:$0x3FD9]  }
0x89: {  	s3 =	sld [smem:$0x3FFE];
	_ =	sdelay $0x1  }
0x8a: {  	s1 =	srdreg.scid  }
0x8b: {  	s0 =	sand.u32 $0x1, s1  }
0x8c: {  	s17 =	sshll.u32 s0, $0xA;
	s2 =	sadd.s32 s3, s2  }
0x8d: {  	s2 =	sadd.s32 s2, s17  }
0x8e: {  	[smem:$0x3FC6] =	sst s2  }
0x8f: {  	_ = 	snop  }
0x90: {  	s2 =	sld [smem:$0x3FD0];
	(tm) =	ssettm $0x1  }
0x91: {  	s18 =	sld [smem:$0x3FFB];
	_ =	sdelay $0x3  }
0x92: {  	_ =	strace s18  }
0x93: {  	s3 =	sld [smem:$0x3FFC];
	_ =	sdelay $0x3  }
0x94: {  	_ =	strace s3  }
0x95: {  	s3 =	sld [smem:$0x3FFD];
	_ =	sdelay $0x3  }
0x96: {  	_ =	strace s3  }
0x97: {  	_ =	strace $0x8FFFFFFF  }
0x98: {  	s19 =	sld [smem:$0x3FDB];
	_ =	sdelay $0x1  }
0x99: {  	s4 =	simm.s32 $_scs_section_size  }
0x9a: {  	s5 =	simm.s32 $_size__tile_overlayer_lowered;
	s6 =	simm.s32 $_tile_overlayer_lowered  }
0x9b: {  	s22 =	simm.s32 $0x1BFF;
	s21 =	sshll.u32 s6, $0x1;
	s3 =	sadd.s32 s4, s19  }
0x9c: {  	s7 =	simm.s32 $0x0;
	s20 =	sshll.u32 s5, $0x1;
	s5 =	sadd.s32 s21, s3  }
0x9d: {  	[timem:s7], [sflag:s22] =	dma.local [hbm:s5], s20  }
0x9e: {  	_ =	swait.ge [sflag:s22], s20  }
0x9f: {  	s4 =	ssub.s32 $0x0, s20;
	[sflag:s22] =	ssyncset.done $0x0  }
0xa0: {  	[sflag:s22] =	ssyncadd.s32 s4;
	_ =	sdelay $0x1  }
0xa1: {  	s23 =	simm.s32 $0x1B8B  }
0xa2: {  	_ =	swait.ge [sflag:s23], $0x1  }
0xa3: {  	[sflag:s23] =	ssyncset.done $0x0  }
0xa4: {  	s25 =	simm.s32 $0x1B8E;
	s24 =	sld [smem:$0x3FFE];
	[sflag:s23] =	ssyncadd.s32 $0xFFFFFFFF  }
0xa5: {  	s26 =	simm.s32 $execute0_lowered;
	[smem:$0x3FD2] =	sst s25  }
0xa6: {  	s5 =	sshll.u32 s26, $0x1;
	_ =	strace $0x80000046;
	[dreg:$0x1] =	wrdreg $0xFFFFFFFF  }
0xa7: {  	s28 =	simm.s32 $_size_execute0_lowered;
	s3 =	sadd.s32 s3, s5;
	[dreg:$0x0] =	wrdreg $0x0  }
0xa8: {  	s5 =	sshll.u32 s28, $0x1;
	[dreg:$0x2] =	wrdreg s3  }
0xa9: {  	[dreg:$0x3] =	wrdreg s5  }
0xaa: {  	[dreg:$0x4] =	wrdreg $0xC0  }
0xab: {  	_ =	task [dreg:s7], $0x5FFFF  }
0xac: {  	[dreg:$0x1] =	wrdreg $0xFFFFFFFF  }
0xad: {  	[dreg:$0x0] =	wrdreg $0x60  }
0xae: {  	[dreg:$0x2] =	wrdreg s2  }
0xaf: {  	[dreg:$0x3] =	wrdreg s24  }
0xb0: {  	[dreg:$0x4] =	wrdreg $0x9  }
0xb1: {  	_ =	task.clear_ibuf [dreg:s7], $0x5FFFF;
	_ =	strace $0x90000046  }
0xb2: {  	s29 =	simm.s32 $0x9;
	_ =	strace $0x80000048  }
0xb3: {  	_ =	swait.ge [sflag:s29], $0x1  }
0xb4: {  	[sflag:s29] =	ssyncadd.s32 $0xFFFFFFFF  }
0xb5: {  	_ =	strace $0x90000048  }
0xb6: {  	_ =	sfence  }
0xb7: {  	s30 =	sld [smem:$0x0];
	_ =	sdelay $0x2  }
0xb8: {  	s31 =	sshll.u32 s1, $0xD;
	s1 =	sshrl.u32 s1, $0x2  }
0xb9: {  	s3 =	sand.u32 $0x4000, s31;
	s1 =	sadd.s32 s1, s30  }
0xba: {  	s0 =	sor.u32 s3, s0;
	s1 =	sshll.u32 s1, $0x11  }
0xbb: {  	s0 =	sor.u32 s1, s0  }
0xbc: {  	s0 =	sadd.s32 $0x8F2B, s0  }
0xbd: {  	[sflag:s0] =	ssyncadd.remote.s32 $0x1  }
0xbe: {  	_ =	sfence.sel $0xFFFF  }
0xbf: {  	[dreg:$0x0] =	wrdreg $0xFFFFFFFF;
	(pc) =	sbr.abs _section_cstart, $3  }
0xc0: {  	[dreg:$0x1] =	wrdreg $0xFFFFFFFF  }
0xc1: {  	_ =	task.clear_ibuf [dreg:s7], $0x2FFFF;
	_ =	strace $0x9FFFFFFF  }
0xc2: {  	(tm) =	ssettm $0x7FFFFFFF  }
0xc3: {  	_ =	shalt  }
tec
execute0_lowered:
.L_overlay_start_1:
0x0: {  	(tag) =	ssettag $0x1  }
0x1: {  	s2 =	rddreg [dreg:$0x0]  }
0x2: {  	s0 =	srdreg.scid;
	s7 =	stileid.u32  }
0x3: {  	s1 =	rddreg [dreg:$0x1];
	s3 =	simm.s32 $0x0;
	s28 =	simm.s32 $0x2  }
0x4: {  	s29 =	simm.s32 $0x960;
	s30 =	simm.s32 $0x13880;
	s31 =	simm.s32 $0x3  }
0x5: {  	s0 =	sand.u32 $0x1, s0;
	s4 =	sshll.u32 s7, $0x1;
	s6 =	smul.u32 $0xC8000, s7  }
0x6: {  	[smem:$0x7FF] =	sst s3;
	s11 =	sadd.s32 $0xF42C00, s1;
	s26 =	smul.u32 $0xC800, s7  }
0x7: {  	s7 =	simm.s32 $0x6;
	s4 =	sor.u32 s0, s4;
	s8 =	smul.u32 $0x6400, s0  }
0x8: {  	_ =	strace $0x80000047;
	s12 =	ssub.s32 $0x2, s0;
	s0 =	smul.u32 $0x64000, s0  }
0x9: {  	[dreg:$0x3] =	wrdreg s11;
	s5 =	smul.u32 $0x6400, s4;
	s9 =	sshrl.u32 s12, $0x1  }
0xa: {  	s4 =	sadd.s32 $0x800, s1;
	s13 =	ssub.s32 s12, s9;
	s1 =	sadd.s32 s8, s26  }
0xb: {  	s15 =	sadd.s32 s0, s6;
	s6 =	simm.s32 $0x8;
	s9 =	simm.s32 $0x0  }
0xc: {  	s5 =	sshrl.u32 s5, $0x3;
	s17 =	sadd.s32 $0x960, s1;
	s19 =	sadd.s32 $0x640, s1  }
0xd: {  	s22 =	sadd.s32 $0xFA0, s1;
	s24 =	sshll.u32 s1, $0x4;
	s25 =	sadd.s32 $0xC80, s1  }
0xe: {  	[dreg:$0x7] =	wrdreg s15;
	s1 =	simm.s32 $0x4;
	s10 =	sadd.s32 s2, s5  }
0xf: {  	s5 =	smax.u32 s13, $0x1;
	s18 =	sshll.u32 s17, $0x4;
	s0 =	sshrl.u32 s17, $0x3  }
0x10: {  	s20 =	sshll.u32 s19, $0x4;
	s21 =	sshrl.u32 s19, $0x3;
	s23 =	sshrl.u32 s22, $0x3  }
0x11: {  	[dreg:$0xb] =	wrdreg s25;
	s26 =	sadd.s32 s24, s11;
	s17 =	sadd.s32 s11, s15  }
0x12: {  	s19 =	simm.s32 $0x320;
	s22 =	simm.s32 $0x1;
	s24 =	simm.s32 $0x80  }
0x13: {  	s25 =	simm.s32 $0x640;
	[dreg:$0x4] =	wrdreg s10;
	s14 =	sadd.s32 $0x64, s10  }
0x14: {  	[dreg:$0x6] =	wrdreg s5;
	s10 =	sadd.s32 s18, s11;
	s0 =	sadd.s32 s0, s2  }
.Ltmp0:
0x15: {  	s12 =	sadd.s32 s20, s11;
	s16 =	sadd.s32 $0x3200, s26;
	(pc) =	sbr.rel .LBB2_1-.Ltmp0, $4  }
0x16: {  	s18 =	simm.s32 $0x9;
	s20 =	simm.s32 $0xC80;
	[dreg:$0x5] =	wrdreg s14  }
0x17: {  	s26 =	simm.s32 $0xD480;
	[dreg:$0x8] =	wrdreg s0;
	s0 =	sadd.s32 s21, s2  }
0x18: {  	s21 =	simm.s32 $0x7080;
	[dreg:$0x9] =	wrdreg s0;
	s0 =	sadd.s32 s23, s2  }
0x19: {  	s23 =	simm.s32 $0x20;
	[dreg:$0xa] =	wrdreg s0;
	s0 =	simm.s32 $0x5  }
.LBB2_4:
0x1a: {  	s8 =	rddreg [dreg:$0x7]  }
0x1b: {  	s5 =	sadd.s32 s5, s8  }
0x1c: {  	_ =	swait.ge [sflag:s1], $0x6400;
	s5 =	sadd.s32 $0x9600, s5  }
0x1d: {  	[sflag:s1] =	ssyncset.done $0x0;
	s13 =	rddreg [dreg:$0x3];
	s5 =	sand.u32 $0x1FFFCE00, s5  }
0x1e: {  	[sflag:s1] =	ssyncadd.s32 $0xFFFF9C00;
	s5 =	sadd.s32 s13, s5  }
0x1f: {  	[hbm4b:s5+s23] =	stream.strided.scatter [tilespmem:s30], [sflag:$0x8], $0x6400, s24, s23, $0x38;
	[tilespmem:$0x19C80] =	vst v63  }
0x20: {  	_ =	swait.ge [sflag:s0], $0x6400  }
0x21: {  	[sflag:s0] =	ssyncset.done $0x0  }
0x22: {  	[sflag:s0] =	ssyncadd.s32 $0xFFFF9C00  }
0x23: {  	_ =	swait.ge [sflag:s7], $0x6400  }
0x24: {  	[sflag:s7] =	ssyncset.done $0x0  }
0x25: {  	s14 =	simm.s32 $0x7;
	[sflag:s7] =	ssyncadd.s32 $0xFFFF9C00  }
0x26: {  	_ =	swait.ge [sflag:s14], $0x6400  }
0x27: {  	[sflag:s14] =	ssyncset.done $0x0  }
0x28: {  	[sflag:s14] =	ssyncadd.s32 $0xFFFF9C00  }
0x29: {  	_ =	swait.ge [sflag:s6], $0x6400  }
0x2a: {  	s9 =	sadd.s32 $0x1, s9;
	s15 =	rddreg [dreg:$0x6]  }
0x2b: {  	p0 =	sne.s32 s9, s15  }
.Ltmp1:
0x2c: {  	_ = 	snop;
	(pc) =	sbr.rel @!p0 .LBB2_5-.Ltmp1, $3  }
0x2d: {  	_ =	sdelay $0x1  }
0x2e: {  	[sflag:s6] =	ssyncset.done $0x0  }
0x2f: {  	[sflag:s6] =	ssyncadd.s32 $0xFFFF9C00  }
.LBB2_1:
0x30: {  	s5 =	rddreg [dreg:$0x4]  }
0x31: {  	[tilespmem:s3], [sflag:$0x9] =	stream.linear.gather [hbm4b:s5+s3], $0x320, $0x38;
	[tilespmem:$0x19C80] =	vst v63  }
0x32: {  	_ =	swait.ge [sflag:s18], $0x320  }
0x33: {  	[sflag:s18] =	ssyncset.done $0x0  }
0x34: {  	[sflag:s18] =	ssyncadd.s32 $0xFFFFFCE0  }
0x35: {  	[tilespmem:s20], [sflag:$0x1] =	stream.indirect.gather [hbm4b:s4+s19], $0x20, s3, s19, $0xb8;
	[tilespmem:$0x19C80] =	vst v63  }
0x36: {  	s15 =	rddreg [dreg:$0x5]  }
0x37: {  	[tilespmem:s19], [sflag:$0x9] =	stream.linear.gather [hbm4b:s15+s3], $0x320, $0x38;
	[tilespmem:$0x19C80] =	vst v63  }
0x38: {  	_ =	swait.ge [sflag:s18], $0x320  }
0x39: {  	s15 =	rddreg [dreg:$0xb]  }
0x3a: {  	s14 =	rddreg [dreg:$0xa]  }
0x3b: {  	[sflag:s18] =	ssyncset.done $0x0;
	s13 =	rddreg [dreg:$0x9]  }
0x3c: {  	s5 =	simm.s32 $0x0;
	s11 =	rddreg [dreg:$0x8];
	[sflag:s18] =	ssyncadd.s32 $0xFFFFFCE0  }
0x3d: {  	[tilespmem:s21], [sflag:$0x2] =	stream.indirect.gather [hbm4b:s4+s19], $0x20, s19, s19, $0xb8;
	[tilespmem:$0x19C80] =	vst v63  }
.LBB2_2:
0x3e: {  	_ =	swait.ge [sflag:s22], $0x6400  }
0x3f: {  	[sflag:s22] =	ssyncset.done $0x0  }
0x40: {  	s8 =	sadd.s32 s5, s17;
	p0 =	seq.s32 s5, $0x0;
	[sflag:s22] =	ssyncadd.s32 $0xFFFF9C00  }
0x41: {  	[hbm4b:s8+s23] =	stream.strided.scatter [tilespmem:s20], [sflag:$0x5], $0x6400, s24, s23, $0x38;
	[tilespmem:$0x19C80] =	vst v63  }
0x42: {  	s8 =	simm.s32 @!p0 $0x7  }
0x43: {  	_ =	swait.ge @!p0 [sflag:s8], $0x6400  }
0x44: {  	[sflag:s8] =	ssyncset.done @!p0 $0x0  }
0x45: {  	[sflag:s8] =	ssyncadd.s32 @!p0 $0xFFFF9C00  }
0x46: {  	[tilespmem:s25], [sflag:$0x9] =	stream.linear.gather [hbm4b:s13+s3], $0x320, $0x38;
	[tilespmem:$0x19C80] =	vst v63  }
0x47: {  	_ =	swait.ge [sflag:s18], $0x320  }
0x48: {  	[sflag:s18] =	ssyncset.done $0x0  }
0x49: {  	[sflag:s18] =	ssyncadd.s32 $0xFFFFFCE0  }
0x4a: {  	[tilespmem:s26], [sflag:$0x3] =	stream.indirect.gather [hbm4b:s4+s19], $0x20, s25, s19, $0xb8;
	[tilespmem:$0x19C80] =	vst v63  }
0x4b: {  	_ =	swait.ge [sflag:s28], $0x6400  }
0x4c: {  	[sflag:s28] =	ssyncset.done $0x0  }
0x4d: {  	s8 =	sadd.s32 s5, s16;
	[sflag:s28] =	ssyncadd.s32 $0xFFFF9C00  }
0x4e: {  	[hbm4b:s8+s23] =	stream.strided.scatter [tilespmem:s21], [sflag:$0x6], $0x6400, s24, s23, $0x38;
	[tilespmem:$0x19C80] =	vst v63  }
0x4f: {  	s8 =	simm.s32 @!p0 $0x8  }
0x50: {  	_ =	swait.ge @!p0 [sflag:s8], $0x6400  }
0x51: {  	[sflag:s8] =	ssyncset.done @!p0 $0x0  }
0x52: {  	[sflag:s8] =	ssyncadd.s32 @!p0 $0xFFFF9C00  }
0x53: {  	[tilespmem:s29], [sflag:$0x9] =	stream.linear.gather [hbm4b:s11+s3], $0x320, $0x38;
	[tilespmem:$0x19C80] =	vst v63  }
0x54: {  	_ =	swait.ge [sflag:s18], $0x320  }
0x55: {  	[sflag:s18] =	ssyncset.done $0x0  }
0x56: {  	p0 =	seq.s32 s5, $0x57800;
	[sflag:s18] =	ssyncadd.s32 $0xFFFFFCE0  }
0x57: {  	[tilespmem:s30], [sflag:$0x4] =	stream.indirect.gather [hbm4b:s4+s19], $0x20, s29, s19, $0xb8;
	[tilespmem:$0x19C80] =	vst v63  }
.Ltmp2:
0x58: {  	_ = 	snop;
	(pc) =	sbr.rel @p0 .LBB2_4-.Ltmp2, $4  }
0x59: {  	_ =	swait.ge [sflag:s31], $0x6400  }
0x5a: {  	[sflag:s31] =	ssyncset.done $0x0  }
0x5b: {  	s8 =	sadd.s32 s5, s12;
	[sflag:s31] =	ssyncadd.s32 $0xFFFF9C00  }
0x5c: {  	[hbm4b:s8+s23] =	stream.strided.scatter [tilespmem:s26], [sflag:$0x7], $0x6400, s24, s23, $0x38;
	[tilespmem:$0x19C80] =	vst v63  }
0x5d: {  	_ =	swait.ge [sflag:s0], $0x6400  }
0x5e: {  	s8 =	sshrl.u32 s15, $0x3;
	[sflag:s0] =	ssyncset.done $0x0  }
0x5f: {  	s8 =	sadd.s32 s2, s8;
	[sflag:s0] =	ssyncadd.s32 $0xFFFF9C00  }
0x60: {  	[tilespmem:s3], [sflag:$0x9] =	stream.linear.gather [hbm4b:s8+s3], $0x320, $0x38;
	[tilespmem:$0x19C80] =	vst v63  }
0x61: {  	_ =	swait.ge [sflag:s18], $0x320  }
0x62: {  	[sflag:s18] =	ssyncset.done $0x0  }
0x63: {  	[sflag:s18] =	ssyncadd.s32 $0xFFFFFCE0  }
0x64: {  	[tilespmem:s20], [sflag:$0x1] =	stream.indirect.gather [hbm4b:s4+s19], $0x20, s3, s19, $0xb8;
	[tilespmem:$0x19C80] =	vst v63  }
0x65: {  	_ =	swait.ge [sflag:s1], $0x6400  }
0x66: {  	[sflag:s1] =	ssyncset.done $0x0  }
0x67: {  	s8 =	sadd.s32 s5, s10;
	[sflag:s1] =	ssyncadd.s32 $0xFFFF9C00  }
0x68: {  	[hbm4b:s8+s23] =	stream.strided.scatter [tilespmem:s30], [sflag:$0x8], $0x6400, s24, s23, $0x38;
	[tilespmem:$0x19C80] =	vst v63  }
0x69: {  	_ =	swait.ge [sflag:s7], $0x6400  }
0x6a: {  	[sflag:s7] =	ssyncset.done $0x0  }
0x6b: {  	[sflag:s7] =	ssyncadd.s32 $0xFFFF9C00  }
0x6c: {  	[tilespmem:s19], [sflag:$0x9] =	stream.linear.gather [hbm4b:s14+s3], $0x320, $0x38;
	[tilespmem:$0x19C80] =	vst v63  }
.Ltmp3:
0x6d: {  	_ = 	snop;
	(pc) =	sbr.rel .LBB2_2-.Ltmp3, $4  }
0x6e: {  	s11 =	sadd.s32 $0x190, s11;
	_ =	swait.ge [sflag:s18], $0x320  }
0x6f: {  	s13 =	sadd.s32 $0x190, s13;
	s15 =	sadd.s32 $0xC80, s15;
	[sflag:s18] =	ssyncset.done $0x0  }
0x70: {  	s5 =	sadd.s32 $0xC800, s5;
	s14 =	sadd.s32 $0x190, s14;
	[sflag:s18] =	ssyncadd.s32 $0xFFFFFCE0  }
0x71: {  	[tilespmem:s21], [sflag:$0x2] =	stream.indirect.gather [hbm4b:s4+s19], $0x20, s19, s19, $0xb8;
	[tilespmem:$0x19C80] =	vst v63  }
.LBB2_5:
0x72: {  	_ =	sfence.sel $0x180000  }
0x73: {  	[bflag:$0x0] =	sbarrier.arrive $0xFFFF  }
0x74: {  	_ =	strace $0x90000047  }
0x75: {  	s0 =	stileid.u32;
	[bflag:$0x2] =	sbarrier.arrive $0xFFFF  }
0x76: {  	p0 =	sne.s32 s0, $0x0;
	s0 =	rddreg [dreg:$0x2]  }
0x77: {  	s0 =	sadd.s32 @!p0 $0x100000, s0  }
0x78: {  	[sflag:s0] =	ssyncadd.tile.s32 @!p0 $0x1;
	_ =	shalt  }
.Lfunc_end2:
_tile_overlayer_lowered:
.L_overlay_start_2:
0x79: {  	(tag) =	ssettag $0x2  }
0x7a: {  	s0 =	rddreg [dreg:$0x0];
	s2 =	stileid.u32  }
0x7b: {  	s1 =	rddreg [dreg:$0x1];
	p0 =	sne.s32 s2, $0x0  }
0x7c: {  	s3 =	rddreg [dreg:$0x2];
	[bflag:$0x3] =	sbarrier.arrive $0xFFFF;
	s2 =	simm.s32 @!p0 $0x1C09  }
0x7d: {  	[timem:s3], [sflag:s2] =	dma.local @!p0 [hbm:s0], s1  }
0x7e: {  	s0 =	simm.s32 @!p0 $0x9  }
0x7f: {  	_ =	swait.ge @!p0 [sflag:s0], s1  }
0x80: {  	s1 =	ssub.s32 @!p0 $0x0, s1;
	[sflag:s0] =	ssyncset.done @!p0 $0x0  }
0x81: {  	[sflag:s0] =	ssyncadd.s32 @!p0 s1  }
0x82: {  	[bflag:$0x3] =	sbarrier.arrive $0xFFFF  }
0x83: {  	_ =	shalt  }

// kernel: sparse-core-data-format-call.cloned.1.call-start
scs
called_computation_lowered:
.L_overlay_start_0:
0x0: {  	s2 =	sld [smem:$0x3FD9]  }
0x1: {  	s3 =	sld [smem:$0x3FFE];
	_ =	sdelay $0x1  }
0x2: {  	s1 =	srdreg.scid  }
0x3: {  	s0 =	sand.u32 $0x1, s1  }
0x4: {  	s18 =	sshll.u32 s0, $0xA;
	s2 =	sadd.s32 s3, s2  }
0x5: {  	s2 =	sadd.s32 s2, s18  }
0x6: {  	[smem:$0x3FC6] =	sst s2  }
0x7: {  	_ = 	snop  }
0x8: {  	s2 =	sld [smem:$0x3FD0];
	(tm) =	ssettm $0x1  }
0x9: {  	s19 =	sld [smem:$0x3FFB];
	_ =	sdelay $0x3  }
0xa: {  	_ =	strace s19  }
0xb: {  	s3 =	sld [smem:$0x3FFC];
	_ =	sdelay $0x3  }
0xc: {  	_ =	strace s3  }
0xd: {  	s3 =	sld [smem:$0x3FFD];
	_ =	sdelay $0x3  }
0xe: {  	_ =	strace s3  }
0xf: {  	_ =	strace $0x8FFFFFFF  }
0x10: {  	s20 =	sld [smem:$0x3FDB];
	_ =	sdelay $0x1  }
0x11: {  	s4 =	simm.s32 $_scs_section_size  }
0x12: {  	s5 =	simm.s32 $_size__tile_overlayer_lowered;
	s6 =	simm.s32 $_tile_overlayer_lowered  }
0x13: {  	s23 =	simm.s32 $0x1BFF;
	s22 =	sshll.u32 s6, $0x1;
	s3 =	sadd.s32 s4, s20  }
0x14: {  	s7 =	simm.s32 $0x0;
	s21 =	sshll.u32 s5, $0x1;
	s5 =	sadd.s32 s22, s3  }
0x15: {  	[timem:s7], [sflag:s23] =	dma.local [hbm:s5], s21  }
0x16: {  	_ =	swait.ge [sflag:s23], s21  }
0x17: {  	s4 =	ssub.s32 $0x0, s21;
	[sflag:s23] =	ssyncset.done $0x0  }
0x18: {  	[sflag:s23] =	ssyncadd.s32 s4;
	_ =	sdelay $0x1  }
0x19: {  	s24 =	simm.s32 $0x1B8B  }
0x1a: {  	_ =	swait.ge [sflag:s24], $0x1  }
0x1b: {  	[sflag:s24] =	ssyncset.done $0x0  }
0x1c: {  	s26 =	simm.s32 $0x1B8E;
	s25 =	sld [smem:$0x3FFE];
	[sflag:s24] =	ssyncadd.s32 $0xFFFFFFFF  }
0x1d: {  	s27 =	simm.s32 $execute0_lowered;
	[smem:$0x3FD2] =	sst s26  }
0x1e: {  	s5 =	sshll.u32 s27, $0x1;
	_ =	strace $0x80000049;
	[dreg:$0x1] =	wrdreg $0xFFFFFFFF  }
0x1f: {  	s28 =	simm.s32 $_size_execute0_lowered;
	s3 =	sadd.s32 s3, s5;
	[dreg:$0x0] =	wrdreg $0x0  }
0x20: {  	s5 =	sshll.u32 s28, $0x1;
	[dreg:$0x2] =	wrdreg s3  }
0x21: {  	[dreg:$0x3] =	wrdreg s5  }
0x22: {  	[dreg:$0x4] =	wrdreg $0xC0  }
0x23: {  	_ =	task [dreg:s7], $0x5FFFF  }
0x24: {  	[dreg:$0x1] =	wrdreg $0xFFFFFFFF  }
0x25: {  	[dreg:$0x0] =	wrdreg $0x60  }
0x26: {  	[dreg:$0x2] =	wrdreg s25  }
0x27: {  	[dreg:$0x3] =	wrdreg s2  }
0x28: {  	[dreg:$0x4] =	wrdreg $0x9  }
0x29: {  	_ =	task.clear_ibuf [dreg:s7], $0x5FFFF;
	_ =	strace $0x90000049  }
0x2a: {  	s29 =	simm.s32 $0x9;
	_ =	strace $0x8000004B  }
0x2b: {  	_ =	swait.ge [sflag:s29], $0x1  }
0x2c: {  	[sflag:s29] =	ssyncadd.s32 $0xFFFFFFFF  }
0x2d: {  	_ =	strace $0x9000004B  }
0x2e: {  	_ =	sfence  }
0x2f: {  	s30 =	sld [smem:$0x0];
	_ =	sdelay $0x2  }
0x30: {  	s31 =	sshll.u32 s1, $0xD;
	s1 =	sshrl.u32 s1, $0x2  }
0x31: {  	s3 =	sand.u32 $0x4000, s31;
	s1 =	sadd.s32 s1, s30  }
0x32: {  	s0 =	sor.u32 s3, s0;
	s1 =	sshll.u32 s1, $0x11  }
0x33: {  	s0 =	sor.u32 s1, s0  }
0x34: {  	s0 =	sadd.s32 $0x8F2B, s0  }
0x35: {  	[sflag:s0] =	ssyncadd.remote.s32 $0x1  }
0x36: {  	_ =	sfence.sel $0xFFFF  }
0x37: {  	[dreg:$0x0] =	wrdreg $0xFFFFFFFF;
	(pc) =	sbr.abs _section_cstart, $3  }
0x38: {  	[dreg:$0x1] =	wrdreg $0xFFFFFFFF  }
0x39: {  	_ =	task.clear_ibuf [dreg:s7], $0x2FFFF;
	_ =	strace $0x9FFFFFFF  }
0x3a: {  	(tm) =	ssettm $0x7FFFFFFF  }
0x3b: {  	_ =	shalt  }
tec
execute0_lowered:
.L_overlay_start_1:
0x0: {  	(tag) =	ssettag $0x1  }
0x1: {  	s0 =	srdreg.scid  }
0x2: {  	s1 =	sshll.u32 s0, $0x4  }
0x3: {  	s0 =	stileid.u32;
	s1 =	sand.u32 $0x10, s1  }
0x4: {  	s1 =	sor.u32 s0, s1  }
0x5: {  	s6 =	rddreg [dreg:$0x0];
	s4 =	simm.s32 $0x1;
	s2 =	sshll.u32 s1, $0x7  }
0x6: {  	s7 =	simm.s32 $0x2;
	s12 =	simm.s32 $0x0;
	s1 =	ssub.s32 $0x1000, s2  }
0x7: {  	s8 =	simm.s32 $0x8000;
	s13 =	simm.s32 $0x0;
	s3 =	sand.u32 $0xF80, s1  }
0x8: {  	s9 =	simm.s32 $0x0;
	s5 =	sshrl.u32 s1, $0xC;
	p0 =	sne.s32 s3, $0x0  }
.Ltmp0:
0x9: {  	s1 =	rddreg [dreg:$0x2];
	s4 =	simm.s32 @!p0 $0x0;
	(pc) =	sbr.rel .LBB1_1-.Ltmp0, $4  }
0xa: {  	s11 =	simm.s32 $0x0;
	s3 =	rddreg [dreg:$0x1];
	s5 =	sadd.s32 s4, s5  }
0xb: {  	_ =	strace $0x8000004A;
	s4 =	simm.s32 $0x1;
	s5 =	smul.u32 $0xC8, s5  }
0xc: {  	s6 =	sadd.s32 $0xF42C00, s6;
	s10 =	smov.u32 s2;
	[sflag:s4] =	ssyncpa.u1 $0x0  }
0xd: {  	p0 =	por $0x0, $0x0;
	[sflag:s7] =	ssyncpa.u1 $0x0;
	s7 =	sor.u32 $0x1, s5  }
.LBB1_4:
0xe: {  	s16 =	sshll.u32 s13, $0x3;
	s17 =	sand.u32 $0x78, s13  }
0xf: {  	s30 =	sand.u32 $0x3E00, s13;
	s12 =	sshll.u32 s12, $0xE;
	s16 =	sand.u32 $0xC00, s16  }
0x10: {  	s31 =	sand.u32 $0x7, s13;
	s16 =	sor.u32 s17, s16;
	s17 =	sadd.s32 s3, s30  }
0x11: {  	s13 =	sshll.u32 s31, $0x12;
	s16 =	sshrl.u32 s16, $0x3;
	s12 =	sadd.s32 s12, s17  }
0x12: {  	[tilespmem:s15+$0x0 ss:$0x81] =	vst.msk $0xffff, v0;
	s13 =	sor.u32 $0x400, s13;
	s12 =	sadd.s32 s16, s12  }
0x13: {  	[hbm4b:s12+s13] =	stream.strided.scatter [tilespmem:s14], [sflag:$0x2], $0x1000, s8, s13, $0x20;
	[tilespmem:$0x4040] =	vst v63  }
.LBB1_5:
0x14: {  	s14 =	sadd.s32 $0x1, s9  }
0x15: {  	s12 =	sadd.s32 $0x1000, s10;
	s16 =	smov.u32 s10;
	p2 =	sgt.s32 s14, $0xC7  }
0x16: {  	s16 =	smov.u32 @p2 s12  }
0x17: {  	s14 =	simm.s32 @p2 $0x0;
	p2 =	sgt.s32 s16, $0xFFF  }
0x18: {  	s16 =	smov.u32 @p2 s2;
	p2 =	sne.s32 s11, s7  }
.Ltmp1:
0x19: {  	p1 =	slt.u32 s11, $0x2;
	(pc) =	sbr.rel @!p2 .LBB1_6-.Ltmp1, $4  }
0x1a: {  	s15 =	simm.s32 @!p1 $0x2  }
0x1b: {  	s13 =	smov.u32 s10;
	p0 =	por !p0, !p0;
	_ =	swait.ge @!p1 [sflag:s15], $0x1000  }
0x1c: {  	s12 =	smov.u32 s9;
	[sflag:s15] =	ssyncset.done @!p1 $0x0;
	s9 =	smov.u32 s14  }
0x1d: {  	s11 =	sadd.s32 $0x1, s11;
	[sflag:s15] =	ssyncadd.s32 @!p1 $0xFFFFF000;
	s10 =	smov.u32 s16  }
.LBB1_1:
0x1e: {  	p1 =	sge.u32 s11, s5  }
0x1f: {  	s14 =	sand.u32 @!p1 $0x1FFFFFF, s9  }
0x20: {  	s15 =	smulhi.u32 @!p1 $0x147AE15, s14;
	_ =	sdelay $0x1  }
0x21: {  	s15 =	smul.u32 @!p1 $0xC8, s15  }
0x22: {  	s16 =	sxor.u32 @!p1 $0xFFFFFFFF, s11;
	s17 =	smul.u32 @!p1 $0xC80, s10  }
0x23: {  	s31 =	sadd.s32 $0xFFFFFFFF, s11;
	s16 =	sshll.u32 @!p1 s16, $0xC;
	s14 =	ssub.s32 @!p1 s14, s15  }
0x24: {  	s15 =	sand.u32 @!p1 $0x1000, s16;
	s16 =	sadd.s32 @!p1 s6, s17;
	s14 =	sshll.u32 @!p1 s14, $0x4  }
0x25: {  	s17 =	simm.s32 @!p1 $0x6400;
	s14 =	sadd.s32 @!p1 s14, s16;
	s16 =	simm.s32 @!p1 $0x20  }
0x26: {  	[tilespmem:s15], [sflag:$0x1] =	stream.strided.gather @!p1 [hbm4b:s14+s16], $0x1000, s17, s16, $0x38;
	[tilespmem:$0x4040] =	vst v63  }
0x27: {  	p1 =	sge.u32 s31, s5  }
.Ltmp2:
0x28: {  	_ = 	snop;
	(pc) =	sbr.rel @p1 .LBB1_5-.Ltmp2, $1  }
0x29: {  	_ =	sdelay $0x3  }
0x2a: {  	s14 =	simm.s32 $0x1  }
0x2b: {  	_ =	swait.ge [sflag:s4], $0x1000;
	s14 =	simm.s32 @!p0 $0x0  }
0x2c: {  	[sflag:s4] =	ssyncset.done $0x0;
	s15 =	sshll.u32 s14, $0xC  }
0x2d: {  	[sflag:s4] =	ssyncadd.s32 $0xFFFFF000;
	s18 =	sor.u32 $0x10, s15  }
0x2e: {  	s14 =	smul.u32 $0x4080, s14;
	v1 =	vld [tilespmem:s18+$0x0]  }
0x2f: {  	s30 =	sand.u32 $0x1, s11;
	v0 =	vld [tilespmem:s18+$0xFFFFFFF0]  }
0x30: {  	s15 =	smul.u32 $0x4080, s30;
	s14 =	sshrl.u32 s14, $0x2  }
0x31: {  	s16 =	sor.u32 $0x2000, s14  }
0x32: {  	s31 =	sshrl.u32 s15, $0x2;
	s15 =	sadd.s32 $0x0, s16  }
0x33: {  	s17 =	simm.s32 $0x4;
	s18 =	sadd.s32 $0x20, s18;
	s14 =	sor.u32 $0x2000, s31;
	[tilespmem:s15+$0x810 ss:$0x81] =	vst.msk $0xffff, v1  }
.LBB1_3:
0x34: {  	v1 =	vld [tilespmem:s18+$0x0];
	p1 =	sne.s32 s17, $0x1FC;
	[tilespmem:s15+$0x0 ss:$0x81] =	vst.msk $0xffff, v0;
	s15 =	smov.u32 s17;
	s17 =	sadd.s32 $0x4, s17  }
.Ltmp3:
0x35: {  	v0 =	vld [tilespmem:s18+$0xFFFFFFF0];
	(pc) =	sbr.rel @p1 .LBB1_3-.Ltmp3, $4  }
0x36: {  	_ = 	snop  }
0x37: {  	s15 =	sshra.s32 s15, $0x2  }
0x38: {  	s15 =	sadd.s32 s15, s16  }
0x39: {  	s18 =	sadd.s32 $0x20, s18;
	[tilespmem:s15+$0x810 ss:$0x81] =	vst.msk $0xffff, v1  }
.Ltmp4:
0x3a: {  	_ = 	snop;
	(pc) =	sbr.rel .LBB1_4-.Ltmp4, $1  }
0x3b: {  	_ =	sdelay $0x3  }
.LBB1_6:
0x3c: {  	_ =	sfence.sel $0x180000  }
0x3d: {  	s2 =	simm.s32 $0x1;
	[bflag:$0x0] =	sbarrier.arrive $0xFFFF  }
0x3e: {  	s31 =	simm.s32 $0x2;
	[sflag:s2] =	ssyncpa.u1 $0x1  }
0x3f: {  	[sflag:s31] =	ssyncpa.u1 $0x1  }
0x40: {  	p0 =	sne.s32 s0, $0x0;
	_ =	strace $0x9000004A  }
0x41: {  	s0 =	sadd.s32 @!p0 $0x100000, s1;
	[bflag:$0x2] =	sbarrier.arrive $0xFFFF  }
0x42: {  	[sflag:s0] =	ssyncadd.tile.s32 @!p0 $0x1;
	_ =	shalt  }
.Lfunc_end1:
_tile_overlayer_lowered:
.L_overlay_start_2:
0x43: {  	(tag) =	ssettag $0x2  }
0x44: {  	s0 =	rddreg [dreg:$0x0];
	s2 =	stileid.u32  }
0x45: {  	s1 =	rddreg [dreg:$0x1];
	p0 =	sne.s32 s2, $0x0  }
0x46: {  	s3 =	rddreg [dreg:$0x2];
	[bflag:$0x3] =	sbarrier.arrive $0xFFFF;
	s2 =	simm.s32 @!p0 $0x1C01  }
0x47: {  	[timem:s3], [sflag:s2] =	dma.local @!p0 [hbm:s0], s1  }
0x48: {  	s0 =	simm.s32 @!p0 $0x1  }
0x49: {  	_ =	swait.ge @!p0 [sflag:s0], s1  }
0x4a: {  	s1 =	ssub.s32 @!p0 $0x0, s1;
	[sflag:s0] =	ssyncset.done @!p0 $0x0  }
0x4b: {  	[sflag:s0] =	ssyncadd.s32 @!p0 s1  }
0x4c: {  	[bflag:$0x3] =	sbarrier.arrive $0xFFFF  }
0x4d: {  	_ =	shalt  }

</sc_bundles>
